<compile_context>
chip_gen: v7x
topology: tpu7x:2x2x1
jax: 0.10.2.dev20260603
libtpu: 0.0.44.dev20260713+nightly
codegen_flags: <defaults>
</compile_context>

<pallas_src>
import functools

import jax
import jax.numpy as jnp
from jax import lax
from jax.experimental import pallas as pl
from jax.experimental.pallas import tpu as pltpu
from jax.experimental.pallas import tpu_sc as plsc

NC, NS = 2, 16
NW = NC * NS
NB = 2


@functools.partial(jax.jit, static_argnums=(2, 3, 4, 5))
def _gather(idx, table, b, t, v, d):
    rows_per_w = b // NW
    steps = rows_per_w // NB
    assert steps % 2 == 0 and steps >= 4
    pieces = [(o, min(128, t - o)) for o in range(0, t, 128)]
    mesh = plsc.VectorSubcoreMesh(
        core_axis_name="c", subcore_axis_name="s", num_cores=NC, num_subcores=NS
    )

    @functools.partial(
        pl.kernel,
        out_type=jax.ShapeDtypeStruct((b, t, d), jnp.float32),
        mesh=mesh,
        scratch_types=[
            pltpu.VMEM_SHARED((v, d), jnp.float32),
            pltpu.VMEM((NB, t), jnp.int32),
            pltpu.VMEM((NB, t), jnp.int32),
            pltpu.VMEM((NB, t, d), jnp.float32),
            pltpu.VMEM((NB, t, d), jnp.float32),
            pltpu.SemaphoreType.DMA,
            pltpu.SemaphoreType.DMA,
            pltpu.SemaphoreType.DMA,
            pltpu.SemaphoreType.DMA,
            pltpu.SemaphoreType.DMA,
            pltpu.SemaphoreType.DMA,
        ],
        compiler_params=pltpu.CompilerParams(use_tc_tiling_on_sc=False),
    )
    def k(idx_hbm, table_hbm, out_hbm,
          table_sh, idx0, idx1, rows0, rows1, si0, si1, sg0, sg1, so0, so1):
        sid = lax.axis_index("s")
        wid = sid * NC + lax.axis_index("c")
        base_row = wid * rows_per_w
        bufs = ((idx0, rows0, si0, sg0, so0), (idx1, rows1, si1, sg1, so1))

        @pl.when(sid == 0)
        def _():
            pltpu.sync_copy(table_hbm, table_sh)

        plsc.subcore_barrier()

        def issue_idx(g, bf):
            idx_v, _, si, _, _ = bufs[bf]
            pltpu.async_copy(idx_hbm.at[pl.ds(base_row + g * NB, NB)], idx_v, si)

        def run_chunk(g, bf, wait_out, next_idx):
            idx_v, rows_v, si, sg, so = bufs[bf]
            pltpu.make_async_copy(idx_hbm.at[pl.ds(0, NB)], idx_v, si).wait()
            if wait_out:
                pltpu.make_async_copy(
                    rows_v, out_hbm.at[pl.ds(0, NB)], so).wait()
            copies = [
                pltpu.async_copy(
                    table_sh.at[idx_v.at[r, pl.ds(o, n)]],
                    rows_v.at[r, pl.ds(o, n)],
                    sg,
                )
                for r in range(NB)
                for (o, n) in pieces
            ]
            for c in copies:
                c.wait()
            if next_idx:
                issue_idx(g + 2, bf)
            pltpu.async_copy(
                rows_v, out_hbm.at[pl.ds(base_row + g * NB, NB)], so)

        issue_idx(0, 0)
        issue_idx(1, 1)
        run_chunk(0, 0, wait_out=False, next_idx=True)
        run_chunk(1, 1, wait_out=False, next_idx=True)

        def outer(o, carry):
            g = o * 2
            run_chunk(g, 0, wait_out=True, next_idx=True)
            run_chunk(g + 1, 1, wait_out=True, next_idx=True)
            return carry

        lax.fori_loop(1, steps // 2 - 1, outer, 0)

        run_chunk(steps - 2, 0, wait_out=True, next_idx=False)
        run_chunk(steps - 1, 1, wait_out=True, next_idx=False)
        for bf in (0, 1):
            _, rows_v, _, _, so = bufs[bf]
            pltpu.make_async_copy(
                rows_v, out_hbm.at[pl.ds(0, NB)], so).wait()

    return k(idx, table)


def kernel(segment_ids, weight):
    b, t = segment_ids.shape
    v, d = weight.shape
    out = _gather(segment_ids.astype(jnp.int32), weight, b, t, v, d)
    one = 1.0 + 0.0 * weight[0, 0]
    return out * one

# --- scband reference (transcript-rebuilt; emitter-appended) ---
"""Pipeline reference for scband-segment-embedding-layer-28724741275977 (READ-ONLY COPY).

The authoritative reference and input builder live on the scoring server;
editing this copy changes nothing except your own understanding.
"""

import jax, jax.numpy as jnp
import numpy as np

NUM_SEGMENT_TYPES = 1000
HIDDEN_SIZE = 64
BATCH = 4096
HIST_LEN = 200


def setup_inputs(seed: int = 0) -> dict:
    key = jax.random.key(seed)
    k_idx, k_w = jax.random.split(key)
    segment_ids = jax.random.randint(k_idx, (BATCH, HIST_LEN), 0, NUM_SEGMENT_TYPES, dtype=jnp.int64 if jax.config.jax_enable_x64 else jnp.int32)
    # nn.Embedding weight init: normal(mean=0, std=0.02), padding_idx=0 row zeroed
    weight = jax.random.normal(k_w, (NUM_SEGMENT_TYPES, HIDDEN_SIZE), dtype=jnp.float32) * 0.02
    weight = weight.at[0].set(0.0)
    return {"segment_ids": segment_ids, "weight": weight}


def reference(segment_ids, weight):
    # Embedding lookup: table[idx]
    return jnp.take(weight, segment_ids, axis=0)

if __name__ == "__main__":
    import jax
    _d = setup_inputs()
    print(jax.jit(kernel)(*tuple(_d.values())))

</pallas_src>

<mosaic_0001>
#map = affine_map<(d0, d1) -> (0, 0)>
#map1 = affine_map<(d0, d1) -> (0, 0, 0)>
module attributes {stable_mosaic.version = 14 : i64} {
  func.func @k(%arg0: i32, %arg1: i32, %arg2: memref<4096x200xi32, #tpu.memory_space<hbm>>, %arg3: memref<1000x64xf32, #tpu.memory_space<hbm>>, %arg4: memref<4096x200x64xf32, #tpu.memory_space<hbm>>, %arg5: memref<1000x64xf32, #tpu.memory_space<vmem_shared>>, %arg6: memref<2x200xi32, #tpu.memory_space<vmem>>, %arg7: memref<2x200xi32, #tpu.memory_space<vmem>>, %arg8: memref<2x200x64xf32, #tpu.memory_space<vmem>>, %arg9: memref<2x200x64xf32, #tpu.memory_space<vmem>>, %arg10: memref<!tpu.dma_semaphore, #tpu.memory_space<semaphore_mem>>, %arg11: memref<!tpu.dma_semaphore, #tpu.memory_space<semaphore_mem>>, %arg12: memref<!tpu.dma_semaphore, #tpu.memory_space<semaphore_mem>>, %arg13: memref<!tpu.dma_semaphore, #tpu.memory_space<semaphore_mem>>, %arg14: memref<!tpu.dma_semaphore, #tpu.memory_space<semaphore_mem>>, %arg15: memref<!tpu.dma_semaphore, #tpu.memory_space<semaphore_mem>>) attributes {dimension_semantics = [#tpu.dimension_semantics<core_parallel>, #tpu.dimension_semantics<subcore_parallel>], iteration_bounds = array<i64: 2, 16>, scalar_prefetch = 0 : i64, scratch_operands = 11 : i64, tpu.core_type = #tpu.core_type<sc_vector_subcore>, window_params = [{transform_indices = #map}, {transform_indices = #map}, {transform_indices = #map1}]} {
    %mul3A = arith.constant 2 : i32
    %mul3A_0 = arith.muli %arg1, %mul3A : i32
    %add3A = arith.addi %mul3A_0, %arg0 : i32
    %mul3A_1 = arith.constant 128 : i32
    %mul3A_2 = arith.muli %add3A, %mul3A_1 : i32
    %eq3A = arith.constant 0 : i32
    %eq3A_3 = arith.cmpi eq, %arg1, %eq3A : i32
    %convert_element_type3A = arith.extui %eq3A_3 : i1 to i32
    %cond3A = arith.constant 0 : i32
    %cond3A_4 = arith.cmpi ne, %convert_element_type3A, %cond3A : i32
    scf.if %cond3A_4 {
      "tpu.region"() ({
        %run_scoped3A = tpu.sem_alloc : memref<!tpu.dma_semaphore, #tpu.memory_space<semaphore_mem>>
        tpu.enqueue_dma source(%arg3 : memref<1000x64xf32, #tpu.memory_space<hbm>>) target(%arg5 : memref<1000x64xf32, #tpu.memory_space<vmem_shared>>) target_semaphore(%run_scoped3A : memref<!tpu.dma_semaphore, #tpu.memory_space<semaphore_mem>>)
        tpu.wait_dma2 semaphore(%run_scoped3A : memref<!tpu.dma_semaphore, #tpu.memory_space<semaphore_mem>>) src(%arg3 : memref<1000x64xf32, #tpu.memory_space<hbm>>) dst(%arg5 : memref<1000x64xf32, #tpu.memory_space<vmem_shared>>)
        tpu.yield
      }) : () -> ()
    } else {
    }
    %barrier3A = arith.constant 0 : index
    tpu.barrier barrier_id(%barrier3A)
    %add3A_5 = arith.constant 0 : i32
    %add3A_6 = arith.addi %mul3A_2, %add3A_5 : i32
    %dma_start3A = arith.constant 0 : i32
    %dma_start3A_7 = tpu.memref_slice %arg2[%add3A_6, %dma_start3A] : memref<4096x200xi32, #tpu.memory_space<hbm>> -> memref<2x200xi32, #tpu.memory_space<hbm>>
    %dma_start3A_8 = arith.constant 0 : i32
    %dma_start3A_9 = tpu.memref_slice %arg2[%add3A_6, %dma_start3A_8] : memref<4096x200xi32, #tpu.memory_space<hbm>> -> memref<2x200xi32, #tpu.memory_space<hbm>>
    tpu.enqueue_dma source(%dma_start3A_9 : memref<2x200xi32, #tpu.memory_space<hbm>>) target(%arg6 : memref<2x200xi32, #tpu.memory_space<vmem>>) target_semaphore(%arg10 : memref<!tpu.dma_semaphore, #tpu.memory_space<semaphore_mem>>)
    %add3A_10 = arith.constant 2 : i32
    %add3A_11 = arith.addi %mul3A_2, %add3A_10 : i32
    %dma_start3A_12 = arith.constant 0 : i32
    %dma_start3A_13 = tpu.memref_slice %arg2[%add3A_11, %dma_start3A_12] : memref<4096x200xi32, #tpu.memory_space<hbm>> -> memref<2x200xi32, #tpu.memory_space<hbm>>
    %dma_start3A_14 = arith.constant 0 : i32
    %dma_start3A_15 = tpu.memref_slice %arg2[%add3A_11, %dma_start3A_14] : memref<4096x200xi32, #tpu.memory_space<hbm>> -> memref<2x200xi32, #tpu.memory_space<hbm>>
    tpu.enqueue_dma source(%dma_start3A_15 : memref<2x200xi32, #tpu.memory_space<hbm>>) target(%arg7 : memref<2x200xi32, #tpu.memory_space<vmem>>) target_semaphore(%arg11 : memref<!tpu.dma_semaphore, #tpu.memory_space<semaphore_mem>>)
    %dma_wait3A = arith.constant 0 : i32
    %dma_wait3A_16 = arith.constant 0 : i32
    %dma_wait3A_17 = tpu.memref_slice %arg2[%dma_wait3A, %dma_wait3A_16] : memref<4096x200xi32, #tpu.memory_space<hbm>> -> memref<2x200xi32, #tpu.memory_space<hbm>>
    %dma_wait3A_18 = arith.constant 0 : i32
    %dma_wait3A_19 = arith.constant 0 : i32
    %dma_wait3A_20 = tpu.memref_slice %arg2[%dma_wait3A_18, %dma_wait3A_19] : memref<4096x200xi32, #tpu.memory_space<hbm>> -> memref<2x200xi32, #tpu.memory_space<hbm>>
    tpu.wait_dma2 semaphore(%arg10 : memref<!tpu.dma_semaphore, #tpu.memory_space<semaphore_mem>>) src(%dma_wait3A_20 : memref<2x200xi32, #tpu.memory_space<hbm>>) dst(%arg6 : memref<2x200xi32, #tpu.memory_space<vmem>>)
    %dma_start3A_21 = arith.constant 0 : i32
    %dma_start3A_22 = arith.constant 0 : i32
    %dma_start3A_23 = arith.constant 0 : i32
    %dma_start3A_24 = arith.constant 0 : i32
    %dma_start3A_25 = tpu.memref_slice %arg8[%dma_start3A_22, %dma_start3A_23, %dma_start3A_24] : memref<2x200x64xf32, #tpu.memory_space<vmem>> -> memref<1x128x64xf32, #tpu.memory_space<vmem>>
    %dma_start3A_26 = tpu.memref_squeeze %dma_start3A_25 : memref<1x128x64xf32, #tpu.memory_space<vmem>> -> memref<128x64xf32, #tpu.memory_space<vmem>>
    %dma_start3A_27 = arith.constant 0 : i32
    %dma_start3A_28 = tpu.memref_slice %arg6[%dma_start3A_21, %dma_start3A_27] : memref<2x200xi32, #tpu.memory_space<vmem>> -> memref<1x128xi32, #tpu.memory_space<vmem>>
    %dma_start3A_29 = tpu.memref_squeeze %dma_start3A_28 : memref<1x128xi32, #tpu.memory_space<vmem>> -> memref<128xi32, #tpu.memory_space<vmem>>
    %dma_start3A_30 = arith.constant 0 : i32
    %dma_start3A_31 = arith.constant 0 : i32
    %dma_start3A_32 = tpu.memref_slice %arg5[%dma_start3A_30, %dma_start3A_31] : memref<1000x64xf32, #tpu.memory_space<vmem_shared>> -> memref<1000x64xf32, #tpu.memory_space<vmem_shared>>
    tpu.enqueue_indirect_dma source(%dma_start3A_32 : memref<1000x64xf32, #tpu.memory_space<vmem_shared>>) target(%dma_start3A_26 : memref<128x64xf32, #tpu.memory_space<vmem>>) offsets(%dma_start3A_29 : memref<128xi32, #tpu.memory_space<vmem>>) semaphore(%arg12 : memref<!tpu.dma_semaphore, #tpu.memory_space<semaphore_mem>>)
    %dma_start3A_33 = arith.constant 0 : i32
    %dma_start3A_34 = arith.constant 0 : i32
    %dma_start3A_35 = arith.constant 128 : i32
    %dma_start3A_36 = arith.constant 0 : i32
    %dma_start3A_37 = tpu.memref_slice %arg8[%dma_start3A_34, %dma_start3A_35, %dma_start3A_36] : memref<2x200x64xf32, #tpu.memory_space<vmem>> -> memref<1x72x64xf32, #tpu.memory_space<vmem>>
    %dma_start3A_38 = tpu.memref_squeeze %dma_start3A_37 : memref<1x72x64xf32, #tpu.memory_space<vmem>> -> memref<72x64xf32, #tpu.memory_space<vmem>>
    %dma_start3A_39 = arith.constant 128 : i32
    %dma_start3A_40 = tpu.memref_slice %arg6[%dma_start3A_33, %dma_start3A_39] : memref<2x200xi32, #tpu.memory_space<vmem>> -> memref<1x72xi32, #tpu.memory_space<vmem>>
    %dma_start3A_41 = tpu.memref_squeeze %dma_start3A_40 : memref<1x72xi32, #tpu.memory_space<vmem>> -> memref<72xi32, #tpu.memory_space<vmem>>
    %dma_start3A_42 = arith.constant 0 : i32
    %dma_start3A_43 = arith.constant 0 : i32
    %dma_start3A_44 = tpu.memref_slice %arg5[%dma_start3A_42, %dma_start3A_43] : memref<1000x64xf32, #tpu.memory_space<vmem_shared>> -> memref<1000x64xf32, #tpu.memory_space<vmem_shared>>
    tpu.enqueue_indirect_dma source(%dma_start3A_44 : memref<1000x64xf32, #tpu.memory_space<vmem_shared>>) target(%dma_start3A_38 : memref<72x64xf32, #tpu.memory_space<vmem>>) offsets(%dma_start3A_41 : memref<72xi32, #tpu.memory_space<vmem>>) semaphore(%arg12 : memref<!tpu.dma_semaphore, #tpu.memory_space<semaphore_mem>>)
    %dma_start3A_45 = arith.constant 1 : i32
    %dma_start3A_46 = arith.constant 1 : i32
    %dma_start3A_47 = arith.constant 0 : i32
    %dma_start3A_48 = arith.constant 0 : i32
    %dma_start3A_49 = tpu.memref_slice %arg8[%dma_start3A_46, %dma_start3A_47, %dma_start3A_48] : memref<2x200x64xf32, #tpu.memory_space<vmem>> -> memref<1x128x64xf32, #tpu.memory_space<vmem>>
    %dma_start3A_50 = tpu.memref_squeeze %dma_start3A_49 : memref<1x128x64xf32, #tpu.memory_space<vmem>> -> memref<128x64xf32, #tpu.memory_space<vmem>>
    %dma_start3A_51 = arith.constant 0 : i32
    %dma_start3A_52 = tpu.memref_slice %arg6[%dma_start3A_45, %dma_start3A_51] : memref<2x200xi32, #tpu.memory_space<vmem>> -> memref<1x128xi32, #tpu.memory_space<vmem>>
    %dma_start3A_53 = tpu.memref_squeeze %dma_start3A_52 : memref<1x128xi32, #tpu.memory_space<vmem>> -> memref<128xi32, #tpu.memory_space<vmem>>
    %dma_start3A_54 = arith.constant 0 : i32
    %dma_start3A_55 = arith.constant 0 : i32
    %dma_start3A_56 = tpu.memref_slice %arg5[%dma_start3A_54, %dma_start3A_55] : memref<1000x64xf32, #tpu.memory_space<vmem_shared>> -> memref<1000x64xf32, #tpu.memory_space<vmem_shared>>
    tpu.enqueue_indirect_dma source(%dma_start3A_56 : memref<1000x64xf32, #tpu.memory_space<vmem_shared>>) target(%dma_start3A_50 : memref<128x64xf32, #tpu.memory_space<vmem>>) offsets(%dma_start3A_53 : memref<128xi32, #tpu.memory_space<vmem>>) semaphore(%arg12 : memref<!tpu.dma_semaphore, #tpu.memory_space<semaphore_mem>>)
    %dma_start3A_57 = arith.constant 1 : i32
    %dma_start3A_58 = arith.constant 1 : i32
    %dma_start3A_59 = arith.constant 128 : i32
    %dma_start3A_60 = arith.constant 0 : i32
    %dma_start3A_61 = tpu.memref_slice %arg8[%dma_start3A_58, %dma_start3A_59, %dma_start3A_60] : memref<2x200x64xf32, #tpu.memory_space<vmem>> -> memref<1x72x64xf32, #tpu.memory_space<vmem>>
    %dma_start3A_62 = tpu.memref_squeeze %dma_start3A_61 : memref<1x72x64xf32, #tpu.memory_space<vmem>> -> memref<72x64xf32, #tpu.memory_space<vmem>>
    %dma_start3A_63 = arith.constant 128 : i32
    %dma_start3A_64 = tpu.memref_slice %arg6[%dma_start3A_57, %dma_start3A_63] : memref<2x200xi32, #tpu.memory_space<vmem>> -> memref<1x72xi32, #tpu.memory_space<vmem>>
    %dma_start3A_65 = tpu.memref_squeeze %dma_start3A_64 : memref<1x72xi32, #tpu.memory_space<vmem>> -> memref<72xi32, #tpu.memory_space<vmem>>
    %dma_start3A_66 = arith.constant 0 : i32
    %dma_start3A_67 = arith.constant 0 : i32
    %dma_start3A_68 = tpu.memref_slice %arg5[%dma_start3A_66, %dma_start3A_67] : memref<1000x64xf32, #tpu.memory_space<vmem_shared>> -> memref<1000x64xf32, #tpu.memory_space<vmem_shared>>
    tpu.enqueue_indirect_dma source(%dma_start3A_68 : memref<1000x64xf32, #tpu.memory_space<vmem_shared>>) target(%dma_start3A_62 : memref<72x64xf32, #tpu.memory_space<vmem>>) offsets(%dma_start3A_65 : memref<72xi32, #tpu.memory_space<vmem>>) semaphore(%arg12 : memref<!tpu.dma_semaphore, #tpu.memory_space<semaphore_mem>>)
    %dma_wait3A_69 = arith.constant 0 : i32
    %dma_wait3A_70 = arith.constant 0 : i32
    %dma_wait3A_71 = arith.constant 0 : i32
    %dma_wait3A_72 = arith.constant 0 : i32
    %dma_wait3A_73 = tpu.memref_slice %arg8[%dma_wait3A_70, %dma_wait3A_71, %dma_wait3A_72] : memref<2x200x64xf32, #tpu.memory_space<vmem>> -> memref<1x128x64xf32, #tpu.memory_space<vmem>>
    %dma_wait3A_74 = tpu.memref_squeeze %dma_wait3A_73 : memref<1x128x64xf32, #tpu.memory_space<vmem>> -> memref<128x64xf32, #tpu.memory_space<vmem>>
    %dma_wait3A_75 = arith.constant 0 : i32
    %dma_wait3A_76 = tpu.memref_slice %arg6[%dma_wait3A_69, %dma_wait3A_75] : memref<2x200xi32, #tpu.memory_space<vmem>> -> memref<1x128xi32, #tpu.memory_space<vmem>>
    %dma_wait3A_77 = tpu.memref_squeeze %dma_wait3A_76 : memref<1x128xi32, #tpu.memory_space<vmem>> -> memref<128xi32, #tpu.memory_space<vmem>>
    %dma_wait3A_78 = arith.constant 0 : i32
    %dma_wait3A_79 = arith.constant 0 : i32
    %dma_wait3A_80 = tpu.memref_slice %arg5[%dma_wait3A_78, %dma_wait3A_79] : memref<1000x64xf32, #tpu.memory_space<vmem_shared>> -> memref<1000x64xf32, #tpu.memory_space<vmem_shared>>
    tpu.wait_indirect_dma semaphore(%arg12 : memref<!tpu.dma_semaphore, #tpu.memory_space<semaphore_mem>>) src(%dma_wait3A_80 : memref<1000x64xf32, #tpu.memory_space<vmem_shared>>) dst(%dma_wait3A_74 : memref<128x64xf32, #tpu.memory_space<vmem>>)
    %dma_wait3A_81 = arith.constant 0 : i32
    %dma_wait3A_82 = arith.constant 0 : i32
    %dma_wait3A_83 = arith.constant 128 : i32
    %dma_wait3A_84 = arith.constant 0 : i32
    %dma_wait3A_85 = tpu.memref_slice %arg8[%dma_wait3A_82, %dma_wait3A_83, %dma_wait3A_84] : memref<2x200x64xf32, #tpu.memory_space<vmem>> -> memref<1x72x64xf32, #tpu.memory_space<vmem>>
    %dma_wait3A_86 = tpu.memref_squeeze %dma_wait3A_85 : memref<1x72x64xf32, #tpu.memory_space<vmem>> -> memref<72x64xf32, #tpu.memory_space<vmem>>
    %dma_wait3A_87 = arith.constant 128 : i32
    %dma_wait3A_88 = tpu.memref_slice %arg6[%dma_wait3A_81, %dma_wait3A_87] : memref<2x200xi32, #tpu.memory_space<vmem>> -> memref<1x72xi32, #tpu.memory_space<vmem>>
    %dma_wait3A_89 = tpu.memref_squeeze %dma_wait3A_88 : memref<1x72xi32, #tpu.memory_space<vmem>> -> memref<72xi32, #tpu.memory_space<vmem>>
    %dma_wait3A_90 = arith.constant 0 : i32
    %dma_wait3A_91 = arith.constant 0 : i32
    %dma_wait3A_92 = tpu.memref_slice %arg5[%dma_wait3A_90, %dma_wait3A_91] : memref<1000x64xf32, #tpu.memory_space<vmem_shared>> -> memref<1000x64xf32, #tpu.memory_space<vmem_shared>>
    tpu.wait_indirect_dma semaphore(%arg12 : memref<!tpu.dma_semaphore, #tpu.memory_space<semaphore_mem>>) src(%dma_wait3A_92 : memref<1000x64xf32, #tpu.memory_space<vmem_shared>>) dst(%dma_wait3A_86 : memref<72x64xf32, #tpu.memory_space<vmem>>)
    %dma_wait3A_93 = arith.constant 1 : i32
    %dma_wait3A_94 = arith.constant 1 : i32
    %dma_wait3A_95 = arith.constant 0 : i32
    %dma_wait3A_96 = arith.constant 0 : i32
    %dma_wait3A_97 = tpu.memref_slice %arg8[%dma_wait3A_94, %dma_wait3A_95, %dma_wait3A_96] : memref<2x200x64xf32, #tpu.memory_space<vmem>> -> memref<1x128x64xf32, #tpu.memory_space<vmem>>
    %dma_wait3A_98 = tpu.memref_squeeze %dma_wait3A_97 : memref<1x128x64xf32, #tpu.memory_space<vmem>> -> memref<128x64xf32, #tpu.memory_space<vmem>>
    %dma_wait3A_99 = arith.constant 0 : i32
    %dma_wait3A_100 = tpu.memref_slice %arg6[%dma_wait3A_93, %dma_wait3A_99] : memref<2x200xi32, #tpu.memory_space<vmem>> -> memref<1x128xi32, #tpu.memory_space<vmem>>
    %dma_wait3A_101 = tpu.memref_squeeze %dma_wait3A_100 : memref<1x128xi32, #tpu.memory_space<vmem>> -> memref<128xi32, #tpu.memory_space<vmem>>
    %dma_wait3A_102 = arith.constant 0 : i32
    %dma_wait3A_103 = arith.constant 0 : i32
    %dma_wait3A_104 = tpu.memref_slice %arg5[%dma_wait3A_102, %dma_wait3A_103] : memref<1000x64xf32, #tpu.memory_space<vmem_shared>> -> memref<1000x64xf32, #tpu.memory_space<vmem_shared>>
    tpu.wait_indirect_dma semaphore(%arg12 : memref<!tpu.dma_semaphore, #tpu.memory_space<semaphore_mem>>) src(%dma_wait3A_104 : memref<1000x64xf32, #tpu.memory_space<vmem_shared>>) dst(%dma_wait3A_98 : memref<128x64xf32, #tpu.memory_space<vmem>>)
    %dma_wait3A_105 = arith.constant 1 : i32
    %dma_wait3A_106 = arith.constant 1 : i32
    %dma_wait3A_107 = arith.constant 128 : i32
    %dma_wait3A_108 = arith.constant 0 : i32
    %dma_wait3A_109 = tpu.memref_slice %arg8[%dma_wait3A_106, %dma_wait3A_107, %dma_wait3A_108] : memref<2x200x64xf32, #tpu.memory_space<vmem>> -> memref<1x72x64xf32, #tpu.memory_space<vmem>>
    %dma_wait3A_110 = tpu.memref_squeeze %dma_wait3A_109 : memref<1x72x64xf32, #tpu.memory_space<vmem>> -> memref<72x64xf32, #tpu.memory_space<vmem>>
    %dma_wait3A_111 = arith.constant 128 : i32
    %dma_wait3A_112 = tpu.memref_slice %arg6[%dma_wait3A_105, %dma_wait3A_111] : memref<2x200xi32, #tpu.memory_space<vmem>> -> memref<1x72xi32, #tpu.memory_space<vmem>>
    %dma_wait3A_113 = tpu.memref_squeeze %dma_wait3A_112 : memref<1x72xi32, #tpu.memory_space<vmem>> -> memref<72xi32, #tpu.memory_space<vmem>>
    %dma_wait3A_114 = arith.constant 0 : i32
    %dma_wait3A_115 = arith.constant 0 : i32
    %dma_wait3A_116 = tpu.memref_slice %arg5[%dma_wait3A_114, %dma_wait3A_115] : memref<1000x64xf32, #tpu.memory_space<vmem_shared>> -> memref<1000x64xf32, #tpu.memory_space<vmem_shared>>
    tpu.wait_indirect_dma semaphore(%arg12 : memref<!tpu.dma_semaphore, #tpu.memory_space<semaphore_mem>>) src(%dma_wait3A_116 : memref<1000x64xf32, #tpu.memory_space<vmem_shared>>) dst(%dma_wait3A_110 : memref<72x64xf32, #tpu.memory_space<vmem>>)
    %add3A_117 = arith.constant 4 : i32
    %add3A_118 = arith.addi %mul3A_2, %add3A_117 : i32
    %dma_start3A_119 = arith.constant 0 : i32
    %dma_start3A_120 = tpu.memref_slice %arg2[%add3A_118, %dma_start3A_119] : memref<4096x200xi32, #tpu.memory_space<hbm>> -> memref<2x200xi32, #tpu.memory_space<hbm>>
    %dma_start3A_121 = arith.constant 0 : i32
    %dma_start3A_122 = tpu.memref_slice %arg2[%add3A_118, %dma_start3A_121] : memref<4096x200xi32, #tpu.memory_space<hbm>> -> memref<2x200xi32, #tpu.memory_space<hbm>>
    tpu.enqueue_dma source(%dma_start3A_122 : memref<2x200xi32, #tpu.memory_space<hbm>>) target(%arg6 : memref<2x200xi32, #tpu.memory_space<vmem>>) target_semaphore(%arg10 : memref<!tpu.dma_semaphore, #tpu.memory_space<semaphore_mem>>)
    %add3A_123 = arith.constant 0 : i32
    %add3A_124 = arith.addi %mul3A_2, %add3A_123 : i32
    %dma_start3A_125 = arith.constant 0 : i32
    %dma_start3A_126 = arith.constant 0 : i32
    %dma_start3A_127 = tpu.memref_slice %arg4[%add3A_124, %dma_start3A_125, %dma_start3A_126] : memref<4096x200x64xf32, #tpu.memory_space<hbm>> -> memref<2x200x64xf32, #tpu.memory_space<hbm>>
    %dma_start3A_128 = arith.constant 0 : i32
    %dma_start3A_129 = arith.constant 0 : i32
    %dma_start3A_130 = tpu.memref_slice %arg4[%add3A_124, %dma_start3A_128, %dma_start3A_129] : memref<4096x200x64xf32, #tpu.memory_space<hbm>> -> memref<2x200x64xf32, #tpu.memory_space<hbm>>
    tpu.enqueue_dma source(%arg8 : memref<2x200x64xf32, #tpu.memory_space<vmem>>) target(%dma_start3A_130 : memref<2x200x64xf32, #tpu.memory_space<hbm>>) target_semaphore(%arg14 : memref<!tpu.dma_semaphore, #tpu.memory_space<semaphore_mem>>)
    %dma_wait3A_131 = arith.constant 0 : i32
    %dma_wait3A_132 = arith.constant 0 : i32
    %dma_wait3A_133 = tpu.memref_slice %arg2[%dma_wait3A_131, %dma_wait3A_132] : memref<4096x200xi32, #tpu.memory_space<hbm>> -> memref<2x200xi32, #tpu.memory_space<hbm>>
    %dma_wait3A_134 = arith.constant 0 : i32
    %dma_wait3A_135 = arith.constant 0 : i32
    %dma_wait3A_136 = tpu.memref_slice %arg2[%dma_wait3A_134, %dma_wait3A_135] : memref<4096x200xi32, #tpu.memory_space<hbm>> -> memref<2x200xi32, #tpu.memory_space<hbm>>
    tpu.wait_dma2 semaphore(%arg11 : memref<!tpu.dma_semaphore, #tpu.memory_space<semaphore_mem>>) src(%dma_wait3A_136 : memref<2x200xi32, #tpu.memory_space<hbm>>) dst(%arg7 : memref<2x200xi32, #tpu.memory_space<vmem>>)
    %dma_start3A_137 = arith.constant 0 : i32
    %dma_start3A_138 = arith.constant 0 : i32
    %dma_start3A_139 = arith.constant 0 : i32
    %dma_start3A_140 = arith.constant 0 : i32
    %dma_start3A_141 = tpu.memref_slice %arg9[%dma_start3A_138, %dma_start3A_139, %dma_start3A_140] : memref<2x200x64xf32, #tpu.memory_space<vmem>> -> memref<1x128x64xf32, #tpu.memory_space<vmem>>
    %dma_start3A_142 = tpu.memref_squeeze %dma_start3A_141 : memref<1x128x64xf32, #tpu.memory_space<vmem>> -> memref<128x64xf32, #tpu.memory_space<vmem>>
    %dma_start3A_143 = arith.constant 0 : i32
    %dma_start3A_144 = tpu.memref_slice %arg7[%dma_start3A_137, %dma_start3A_143] : memref<2x200xi32, #tpu.memory_space<vmem>> -> memref<1x128xi32, #tpu.memory_space<vmem>>
    %dma_start3A_145 = tpu.memref_squeeze %dma_start3A_144 : memref<1x128xi32, #tpu.memory_space<vmem>> -> memref<128xi32, #tpu.memory_space<vmem>>
    %dma_start3A_146 = arith.constant 0 : i32
    %dma_start3A_147 = arith.constant 0 : i32
    %dma_start3A_148 = tpu.memref_slice %arg5[%dma_start3A_146, %dma_start3A_147] : memref<1000x64xf32, #tpu.memory_space<vmem_shared>> -> memref<1000x64xf32, #tpu.memory_space<vmem_shared>>
    tpu.enqueue_indirect_dma source(%dma_start3A_148 : memref<1000x64xf32, #tpu.memory_space<vmem_shared>>) target(%dma_start3A_142 : memref<128x64xf32, #tpu.memory_space<vmem>>) offsets(%dma_start3A_145 : memref<128xi32, #tpu.memory_space<vmem>>) semaphore(%arg13 : memref<!tpu.dma_semaphore, #tpu.memory_space<semaphore_mem>>)
    %dma_start3A_149 = arith.constant 0 : i32
    %dma_start3A_150 = arith.constant 0 : i32
    %dma_start3A_151 = arith.constant 128 : i32
    %dma_start3A_152 = arith.constant 0 : i32
    %dma_start3A_153 = tpu.memref_slice %arg9[%dma_start3A_150, %dma_start3A_151, %dma_start3A_152] : memref<2x200x64xf32, #tpu.memory_space<vmem>> -> memref<1x72x64xf32, #tpu.memory_space<vmem>>
    %dma_start3A_154 = tpu.memref_squeeze %dma_start3A_153 : memref<1x72x64xf32, #tpu.memory_space<vmem>> -> memref<72x64xf32, #tpu.memory_space<vmem>>
    %dma_start3A_155 = arith.constant 128 : i32
    %dma_start3A_156 = tpu.memref_slice %arg7[%dma_start3A_149, %dma_start3A_155] : memref<2x200xi32, #tpu.memory_space<vmem>> -> memref<1x72xi32, #tpu.memory_space<vmem>>
    %dma_start3A_157 = tpu.memref_squeeze %dma_start3A_156 : memref<1x72xi32, #tpu.memory_space<vmem>> -> memref<72xi32, #tpu.memory_space<vmem>>
    %dma_start3A_158 = arith.constant 0 : i32
    %dma_start3A_159 = arith.constant 0 : i32
    %dma_start3A_160 = tpu.memref_slice %arg5[%dma_start3A_158, %dma_start3A_159] : memref<1000x64xf32, #tpu.memory_space<vmem_shared>> -> memref<1000x64xf32, #tpu.memory_space<vmem_shared>>
    tpu.enqueue_indirect_dma source(%dma_start3A_160 : memref<1000x64xf32, #tpu.memory_space<vmem_shared>>) target(%dma_start3A_154 : memref<72x64xf32, #tpu.memory_space<vmem>>) offsets(%dma_start3A_157 : memref<72xi32, #tpu.memory_space<vmem>>) semaphore(%arg13 : memref<!tpu.dma_semaphore, #tpu.memory_space<semaphore_mem>>)
    %dma_start3A_161 = arith.constant 1 : i32
    %dma_start3A_162 = arith.constant 1 : i32
    %dma_start3A_163 = arith.constant 0 : i32
    %dma_start3A_164 = arith.constant 0 : i32
    %dma_start3A_165 = tpu.memref_slice %arg9[%dma_start3A_162, %dma_start3A_163, %dma_start3A_164] : memref<2x200x64xf32, #tpu.memory_space<vmem>> -> memref<1x128x64xf32, #tpu.memory_space<vmem>>
    %dma_start3A_166 = tpu.memref_squeeze %dma_start3A_165 : memref<1x128x64xf32, #tpu.memory_space<vmem>> -> memref<128x64xf32, #tpu.memory_space<vmem>>
    %dma_start3A_167 = arith.constant 0 : i32
    %dma_start3A_168 = tpu.memref_slice %arg7[%dma_start3A_161, %dma_start3A_167] : memref<2x200xi32, #tpu.memory_space<vmem>> -> memref<1x128xi32, #tpu.memory_space<vmem>>
    %dma_start3A_169 = tpu.memref_squeeze %dma_start3A_168 : memref<1x128xi32, #tpu.memory_space<vmem>> -> memref<128xi32, #tpu.memory_space<vmem>>
    %dma_start3A_170 = arith.constant 0 : i32
    %dma_start3A_171 = arith.constant 0 : i32
    %dma_start3A_172 = tpu.memref_slice %arg5[%dma_start3A_170, %dma_start3A_171] : memref<1000x64xf32, #tpu.memory_space<vmem_shared>> -> memref<1000x64xf32, #tpu.memory_space<vmem_shared>>
    tpu.enqueue_indirect_dma source(%dma_start3A_172 : memref<1000x64xf32, #tpu.memory_space<vmem_shared>>) target(%dma_start3A_166 : memref<128x64xf32, #tpu.memory_space<vmem>>) offsets(%dma_start3A_169 : memref<128xi32, #tpu.memory_space<vmem>>) semaphore(%arg13 : memref<!tpu.dma_semaphore, #tpu.memory_space<semaphore_mem>>)
    %dma_start3A_173 = arith.constant 1 : i32
    %dma_start3A_174 = arith.constant 1 : i32
    %dma_start3A_175 = arith.constant 128 : i32
    %dma_start3A_176 = arith.constant 0 : i32
    %dma_start3A_177 = tpu.memref_slice %arg9[%dma_start3A_174, %dma_start3A_175, %dma_start3A_176] : memref<2x200x64xf32, #tpu.memory_space<vmem>> -> memref<1x72x64xf32, #tpu.memory_space<vmem>>
    %dma_start3A_178 = tpu.memref_squeeze %dma_start3A_177 : memref<1x72x64xf32, #tpu.memory_space<vmem>> -> memref<72x64xf32, #tpu.memory_space<vmem>>
    %dma_start3A_179 = arith.constant 128 : i32
    %dma_start3A_180 = tpu.memref_slice %arg7[%dma_start3A_173, %dma_start3A_179] : memref<2x200xi32, #tpu.memory_space<vmem>> -> memref<1x72xi32, #tpu.memory_space<vmem>>
    %dma_start3A_181 = tpu.memref_squeeze %dma_start3A_180 : memref<1x72xi32, #tpu.memory_space<vmem>> -> memref<72xi32, #tpu.memory_space<vmem>>
    %dma_start3A_182 = arith.constant 0 : i32
    %dma_start3A_183 = arith.constant 0 : i32
    %dma_start3A_184 = tpu.memref_slice %arg5[%dma_start3A_182, %dma_start3A_183] : memref<1000x64xf32, #tpu.memory_space<vmem_shared>> -> memref<1000x64xf32, #tpu.memory_space<vmem_shared>>
    tpu.enqueue_indirect_dma source(%dma_start3A_184 : memref<1000x64xf32, #tpu.memory_space<vmem_shared>>) target(%dma_start3A_178 : memref<72x64xf32, #tpu.memory_space<vmem>>) offsets(%dma_start3A_181 : memref<72xi32, #tpu.memory_space<vmem>>) semaphore(%arg13 : memref<!tpu.dma_semaphore, #tpu.memory_space<semaphore_mem>>)
    %dma_wait3A_185 = arith.constant 0 : i32
    %dma_wait3A_186 = arith.constant 0 : i32
    %dma_wait3A_187 = arith.constant 0 : i32
    %dma_wait3A_188 = arith.constant 0 : i32
    %dma_wait3A_189 = tpu.memref_slice %arg9[%dma_wait3A_186, %dma_wait3A_187, %dma_wait3A_188] : memref<2x200x64xf32, #tpu.memory_space<vmem>> -> memref<1x128x64xf32, #tpu.memory_space<vmem>>
    %dma_wait3A_190 = tpu.memref_squeeze %dma_wait3A_189 : memref<1x128x64xf32, #tpu.memory_space<vmem>> -> memref<128x64xf32, #tpu.memory_space<vmem>>
    %dma_wait3A_191 = arith.constant 0 : i32
    %dma_wait3A_192 = tpu.memref_slice %arg7[%dma_wait3A_185, %dma_wait3A_191] : memref<2x200xi32, #tpu.memory_space<vmem>> -> memref<1x128xi32, #tpu.memory_space<vmem>>
    %dma_wait3A_193 = tpu.memref_squeeze %dma_wait3A_192 : memref<1x128xi32, #tpu.memory_space<vmem>> -> memref<128xi32, #tpu.memory_space<vmem>>
    %dma_wait3A_194 = arith.constant 0 : i32
    %dma_wait3A_195 = arith.constant 0 : i32
    %dma_wait3A_196 = tpu.memref_slice %arg5[%dma_wait3A_194, %dma_wait3A_195] : memref<1000x64xf32, #tpu.memory_space<vmem_shared>> -> memref<1000x64xf32, #tpu.memory_space<vmem_shared>>
    tpu.wait_indirect_dma semaphore(%arg13 : memref<!tpu.dma_semaphore, #tpu.memory_space<semaphore_mem>>) src(%dma_wait3A_196 : memref<1000x64xf32, #tpu.memory_space<vmem_shared>>) dst(%dma_wait3A_190 : memref<128x64xf32, #tpu.memory_space<vmem>>)
    %dma_wait3A_197 = arith.constant 0 : i32
    %dma_wait3A_198 = arith.constant 0 : i32
    %dma_wait3A_199 = arith.constant 128 : i32
    %dma_wait3A_200 = arith.constant 0 : i32
    %dma_wait3A_201 = tpu.memref_slice %arg9[%dma_wait3A_198, %dma_wait3A_199, %dma_wait3A_200] : memref<2x200x64xf32, #tpu.memory_space<vmem>> -> memref<1x72x64xf32, #tpu.memory_space<vmem>>
    %dma_wait3A_202 = tpu.memref_squeeze %dma_wait3A_201 : memref<1x72x64xf32, #tpu.memory_space<vmem>> -> memref<72x64xf32, #tpu.memory_space<vmem>>
    %dma_wait3A_203 = arith.constant 128 : i32
    %dma_wait3A_204 = tpu.memref_slice %arg7[%dma_wait3A_197, %dma_wait3A_203] : memref<2x200xi32, #tpu.memory_space<vmem>> -> memref<1x72xi32, #tpu.memory_space<vmem>>
    %dma_wait3A_205 = tpu.memref_squeeze %dma_wait3A_204 : memref<1x72xi32, #tpu.memory_space<vmem>> -> memref<72xi32, #tpu.memory_space<vmem>>
    %dma_wait3A_206 = arith.constant 0 : i32
    %dma_wait3A_207 = arith.constant 0 : i32
    %dma_wait3A_208 = tpu.memref_slice %arg5[%dma_wait3A_206, %dma_wait3A_207] : memref<1000x64xf32, #tpu.memory_space<vmem_shared>> -> memref<1000x64xf32, #tpu.memory_space<vmem_shared>>
    tpu.wait_indirect_dma semaphore(%arg13 : memref<!tpu.dma_semaphore, #tpu.memory_space<semaphore_mem>>) src(%dma_wait3A_208 : memref<1000x64xf32, #tpu.memory_space<vmem_shared>>) dst(%dma_wait3A_202 : memref<72x64xf32, #tpu.memory_space<vmem>>)
    %dma_wait3A_209 = arith.constant 1 : i32
    %dma_wait3A_210 = arith.constant 1 : i32
    %dma_wait3A_211 = arith.constant 0 : i32
    %dma_wait3A_212 = arith.constant 0 : i32
    %dma_wait3A_213 = tpu.memref_slice %arg9[%dma_wait3A_210, %dma_wait3A_211, %dma_wait3A_212] : memref<2x200x64xf32, #tpu.memory_space<vmem>> -> memref<1x128x64xf32, #tpu.memory_space<vmem>>
    %dma_wait3A_214 = tpu.memref_squeeze %dma_wait3A_213 : memref<1x128x64xf32, #tpu.memory_space<vmem>> -> memref<128x64xf32, #tpu.memory_space<vmem>>
    %dma_wait3A_215 = arith.constant 0 : i32
    %dma_wait3A_216 = tpu.memref_slice %arg7[%dma_wait3A_209, %dma_wait3A_215] : memref<2x200xi32, #tpu.memory_space<vmem>> -> memref<1x128xi32, #tpu.memory_space<vmem>>
    %dma_wait3A_217 = tpu.memref_squeeze %dma_wait3A_216 : memref<1x128xi32, #tpu.memory_space<vmem>> -> memref<128xi32, #tpu.memory_space<vmem>>
    %dma_wait3A_218 = arith.constant 0 : i32
    %dma_wait3A_219 = arith.constant 0 : i32
    %dma_wait3A_220 = tpu.memref_slice %arg5[%dma_wait3A_218, %dma_wait3A_219] : memref<1000x64xf32, #tpu.memory_space<vmem_shared>> -> memref<1000x64xf32, #tpu.memory_space<vmem_shared>>
    tpu.wait_indirect_dma semaphore(%arg13 : memref<!tpu.dma_semaphore, #tpu.memory_space<semaphore_mem>>) src(%dma_wait3A_220 : memref<1000x64xf32, #tpu.memory_space<vmem_shared>>) dst(%dma_wait3A_214 : memref<128x64xf32, #tpu.memory_space<vmem>>)
    %dma_wait3A_221 = arith.constant 1 : i32
    %dma_wait3A_222 = arith.constant 1 : i32
    %dma_wait3A_223 = arith.constant 128 : i32
    %dma_wait3A_224 = arith.constant 0 : i32
    %dma_wait3A_225 = tpu.memref_slice %arg9[%dma_wait3A_222, %dma_wait3A_223, %dma_wait3A_224] : memref<2x200x64xf32, #tpu.memory_space<vmem>> -> memref<1x72x64xf32, #tpu.memory_space<vmem>>
    %dma_wait3A_226 = tpu.memref_squeeze %dma_wait3A_225 : memref<1x72x64xf32, #tpu.memory_space<vmem>> -> memref<72x64xf32, #tpu.memory_space<vmem>>
    %dma_wait3A_227 = arith.constant 128 : i32
    %dma_wait3A_228 = tpu.memref_slice %arg7[%dma_wait3A_221, %dma_wait3A_227] : memref<2x200xi32, #tpu.memory_space<vmem>> -> memref<1x72xi32, #tpu.memory_space<vmem>>
    %dma_wait3A_229 = tpu.memref_squeeze %dma_wait3A_228 : memref<1x72xi32, #tpu.memory_space<vmem>> -> memref<72xi32, #tpu.memory_space<vmem>>
    %dma_wait3A_230 = arith.constant 0 : i32
    %dma_wait3A_231 = arith.constant 0 : i32
    %dma_wait3A_232 = tpu.memref_slice %arg5[%dma_wait3A_230, %dma_wait3A_231] : memref<1000x64xf32, #tpu.memory_space<vmem_shared>> -> memref<1000x64xf32, #tpu.memory_space<vmem_shared>>
    tpu.wait_indirect_dma semaphore(%arg13 : memref<!tpu.dma_semaphore, #tpu.memory_space<semaphore_mem>>) src(%dma_wait3A_232 : memref<1000x64xf32, #tpu.memory_space<vmem_shared>>) dst(%dma_wait3A_226 : memref<72x64xf32, #tpu.memory_space<vmem>>)
    %add3A_233 = arith.constant 6 : i32
    %add3A_234 = arith.addi %mul3A_2, %add3A_233 : i32
    %dma_start3A_235 = arith.constant 0 : i32
    %dma_start3A_236 = tpu.memref_slice %arg2[%add3A_234, %dma_start3A_235] : memref<4096x200xi32, #tpu.memory_space<hbm>> -> memref<2x200xi32, #tpu.memory_space<hbm>>
    %dma_start3A_237 = arith.constant 0 : i32
    %dma_start3A_238 = tpu.memref_slice %arg2[%add3A_234, %dma_start3A_237] : memref<4096x200xi32, #tpu.memory_space<hbm>> -> memref<2x200xi32, #tpu.memory_space<hbm>>
    tpu.enqueue_dma source(%dma_start3A_238 : memref<2x200xi32, #tpu.memory_space<hbm>>) target(%arg7 : memref<2x200xi32, #tpu.memory_space<vmem>>) target_semaphore(%arg11 : memref<!tpu.dma_semaphore, #tpu.memory_space<semaphore_mem>>)
    %add3A_239 = arith.constant 2 : i32
    %add3A_240 = arith.addi %mul3A_2, %add3A_239 : i32
    %dma_start3A_241 = arith.constant 0 : i32
    %dma_start3A_242 = arith.constant 0 : i32
    %dma_start3A_243 = tpu.memref_slice %arg4[%add3A_240, %dma_start3A_241, %dma_start3A_242] : memref<4096x200x64xf32, #tpu.memory_space<hbm>> -> memref<2x200x64xf32, #tpu.memory_space<hbm>>
    %dma_start3A_244 = arith.constant 0 : i32
    %dma_start3A_245 = arith.constant 0 : i32
    %dma_start3A_246 = tpu.memref_slice %arg4[%add3A_240, %dma_start3A_244, %dma_start3A_245] : memref<4096x200x64xf32, #tpu.memory_space<hbm>> -> memref<2x200x64xf32, #tpu.memory_space<hbm>>
    tpu.enqueue_dma source(%arg9 : memref<2x200x64xf32, #tpu.memory_space<vmem>>) target(%dma_start3A_246 : memref<2x200x64xf32, #tpu.memory_space<hbm>>) target_semaphore(%arg15 : memref<!tpu.dma_semaphore, #tpu.memory_space<semaphore_mem>>)
    %scan3A = arith.constant 0 : i32
    %scan3A_247 = arith.constant 1 : i32
    %scan3A_248 = arith.constant 30 : i32
    %scan3A_249 = arith.addi %scan3A_247, %scan3A_248 : i32
    %scan3A_250 = arith.constant 1 : i32
    scf.for %scan3A_504 = %scan3A_247 to %scan3A_249 step %scan3A_250  : i32 {
      %mul3A_505 = arith.constant 2 : i32
      %mul3A_506 = arith.muli %scan3A_504, %mul3A_505 : i32
      %dma_wait3A_507 = arith.constant 0 : i32
      %dma_wait3A_508 = arith.constant 0 : i32
      %dma_wait3A_509 = tpu.memref_slice %arg2[%dma_wait3A_507, %dma_wait3A_508] : memref<4096x200xi32, #tpu.memory_space<hbm>> -> memref<2x200xi32, #tpu.memory_space<hbm>>
      %dma_wait3A_510 = arith.constant 0 : i32
      %dma_wait3A_511 = arith.constant 0 : i32
      %dma_wait3A_512 = tpu.memref_slice %arg2[%dma_wait3A_510, %dma_wait3A_511] : memref<4096x200xi32, #tpu.memory_space<hbm>> -> memref<2x200xi32, #tpu.memory_space<hbm>>
      tpu.wait_dma2 semaphore(%arg10 : memref<!tpu.dma_semaphore, #tpu.memory_space<semaphore_mem>>) src(%dma_wait3A_512 : memref<2x200xi32, #tpu.memory_space<hbm>>) dst(%arg6 : memref<2x200xi32, #tpu.memory_space<vmem>>)
      %dma_wait3A_513 = arith.constant 0 : i32
      %dma_wait3A_514 = arith.constant 0 : i32
      %dma_wait3A_515 = arith.constant 0 : i32
      %dma_wait3A_516 = tpu.memref_slice %arg4[%dma_wait3A_513, %dma_wait3A_514, %dma_wait3A_515] : memref<4096x200x64xf32, #tpu.memory_space<hbm>> -> memref<2x200x64xf32, #tpu.memory_space<hbm>>
      %dma_wait3A_517 = arith.constant 0 : i32
      %dma_wait3A_518 = arith.constant 0 : i32
      %dma_wait3A_519 = arith.constant 0 : i32
      %dma_wait3A_520 = tpu.memref_slice %arg4[%dma_wait3A_517, %dma_wait3A_518, %dma_wait3A_519] : memref<4096x200x64xf32, #tpu.memory_space<hbm>> -> memref<2x200x64xf32, #tpu.memory_space<hbm>>
      tpu.wait_dma2 semaphore(%arg14 : memref<!tpu.dma_semaphore, #tpu.memory_space<semaphore_mem>>) src(%arg8 : memref<2x200x64xf32, #tpu.memory_space<vmem>>) dst(%dma_wait3A_520 : memref<2x200x64xf32, #tpu.memory_space<hbm>>)
      %dma_start3A_521 = arith.constant 0 : i32
      %dma_start3A_522 = arith.constant 0 : i32
      %dma_start3A_523 = arith.constant 0 : i32
      %dma_start3A_524 = arith.constant 0 : i32
      %dma_start3A_525 = tpu.memref_slice %arg8[%dma_start3A_522, %dma_start3A_523, %dma_start3A_524] : memref<2x200x64xf32, #tpu.memory_space<vmem>> -> memref<1x128x64xf32, #tpu.memory_space<vmem>>
      %dma_start3A_526 = tpu.memref_squeeze %dma_start3A_525 : memref<1x128x64xf32, #tpu.memory_space<vmem>> -> memref<128x64xf32, #tpu.memory_space<vmem>>
      %dma_start3A_527 = arith.constant 0 : i32
      %dma_start3A_528 = tpu.memref_slice %arg6[%dma_start3A_521, %dma_start3A_527] : memref<2x200xi32, #tpu.memory_space<vmem>> -> memref<1x128xi32, #tpu.memory_space<vmem>>
      %dma_start3A_529 = tpu.memref_squeeze %dma_start3A_528 : memref<1x128xi32, #tpu.memory_space<vmem>> -> memref<128xi32, #tpu.memory_space<vmem>>
      %dma_start3A_530 = arith.constant 0 : i32
      %dma_start3A_531 = arith.constant 0 : i32
      %dma_start3A_532 = tpu.memref_slice %arg5[%dma_start3A_530, %dma_start3A_531] : memref<1000x64xf32, #tpu.memory_space<vmem_shared>> -> memref<1000x64xf32, #tpu.memory_space<vmem_shared>>
      tpu.enqueue_indirect_dma source(%dma_start3A_532 : memref<1000x64xf32, #tpu.memory_space<vmem_shared>>) target(%dma_start3A_526 : memref<128x64xf32, #tpu.memory_space<vmem>>) offsets(%dma_start3A_529 : memref<128xi32, #tpu.memory_space<vmem>>) semaphore(%arg12 : memref<!tpu.dma_semaphore, #tpu.memory_space<semaphore_mem>>)
      %dma_start3A_533 = arith.constant 0 : i32
      %dma_start3A_534 = arith.constant 0 : i32
      %dma_start3A_535 = arith.constant 128 : i32
      %dma_start3A_536 = arith.constant 0 : i32
      %dma_start3A_537 = tpu.memref_slice %arg8[%dma_start3A_534, %dma_start3A_535, %dma_start3A_536] : memref<2x200x64xf32, #tpu.memory_space<vmem>> -> memref<1x72x64xf32, #tpu.memory_space<vmem>>
      %dma_start3A_538 = tpu.memref_squeeze %dma_start3A_537 : memref<1x72x64xf32, #tpu.memory_space<vmem>> -> memref<72x64xf32, #tpu.memory_space<vmem>>
      %dma_start3A_539 = arith.constant 128 : i32
      %dma_start3A_540 = tpu.memref_slice %arg6[%dma_start3A_533, %dma_start3A_539] : memref<2x200xi32, #tpu.memory_space<vmem>> -> memref<1x72xi32, #tpu.memory_space<vmem>>
      %dma_start3A_541 = tpu.memref_squeeze %dma_start3A_540 : memref<1x72xi32, #tpu.memory_space<vmem>> -> memref<72xi32, #tpu.memory_space<vmem>>
      %dma_start3A_542 = arith.constant 0 : i32
      %dma_start3A_543 = arith.constant 0 : i32
      %dma_start3A_544 = tpu.memref_slice %arg5[%dma_start3A_542, %dma_start3A_543] : memref<1000x64xf32, #tpu.memory_space<vmem_shared>> -> memref<1000x64xf32, #tpu.memory_space<vmem_shared>>
      tpu.enqueue_indirect_dma source(%dma_start3A_544 : memref<1000x64xf32, #tpu.memory_space<vmem_shared>>) target(%dma_start3A_538 : memref<72x64xf32, #tpu.memory_space<vmem>>) offsets(%dma_start3A_541 : memref<72xi32, #tpu.memory_space<vmem>>) semaphore(%arg12 : memref<!tpu.dma_semaphore, #tpu.memory_space<semaphore_mem>>)
      %dma_start3A_545 = arith.constant 1 : i32
      %dma_start3A_546 = arith.constant 1 : i32
      %dma_start3A_547 = arith.constant 0 : i32
      %dma_start3A_548 = arith.constant 0 : i32
      %dma_start3A_549 = tpu.memref_slice %arg8[%dma_start3A_546, %dma_start3A_547, %dma_start3A_548] : memref<2x200x64xf32, #tpu.memory_space<vmem>> -> memref<1x128x64xf32, #tpu.memory_space<vmem>>
      %dma_start3A_550 = tpu.memref_squeeze %dma_start3A_549 : memref<1x128x64xf32, #tpu.memory_space<vmem>> -> memref<128x64xf32, #tpu.memory_space<vmem>>
      %dma_start3A_551 = arith.constant 0 : i32
      %dma_start3A_552 = tpu.memref_slice %arg6[%dma_start3A_545, %dma_start3A_551] : memref<2x200xi32, #tpu.memory_space<vmem>> -> memref<1x128xi32, #tpu.memory_space<vmem>>
      %dma_start3A_553 = tpu.memref_squeeze %dma_start3A_552 : memref<1x128xi32, #tpu.memory_space<vmem>> -> memref<128xi32, #tpu.memory_space<vmem>>
      %dma_start3A_554 = arith.constant 0 : i32
      %dma_start3A_555 = arith.constant 0 : i32
      %dma_start3A_556 = tpu.memref_slice %arg5[%dma_start3A_554, %dma_start3A_555] : memref<1000x64xf32, #tpu.memory_space<vmem_shared>> -> memref<1000x64xf32, #tpu.memory_space<vmem_shared>>
      tpu.enqueue_indirect_dma source(%dma_start3A_556 : memref<1000x64xf32, #tpu.memory_space<vmem_shared>>) target(%dma_start3A_550 : memref<128x64xf32, #tpu.memory_space<vmem>>) offsets(%dma_start3A_553 : memref<128xi32, #tpu.memory_space<vmem>>) semaphore(%arg12 : memref<!tpu.dma_semaphore, #tpu.memory_space<semaphore_mem>>)
      %dma_start3A_557 = arith.constant 1 : i32
      %dma_start3A_558 = arith.constant 1 : i32
      %dma_start3A_559 = arith.constant 128 : i32
      %dma_start3A_560 = arith.constant 0 : i32
      %dma_start3A_561 = tpu.memref_slice %arg8[%dma_start3A_558, %dma_start3A_559, %dma_start3A_560] : memref<2x200x64xf32, #tpu.memory_space<vmem>> -> memref<1x72x64xf32, #tpu.memory_space<vmem>>
      %dma_start3A_562 = tpu.memref_squeeze %dma_start3A_561 : memref<1x72x64xf32, #tpu.memory_space<vmem>> -> memref<72x64xf32, #tpu.memory_space<vmem>>
      %dma_start3A_563 = arith.constant 128 : i32
      %dma_start3A_564 = tpu.memref_slice %arg6[%dma_start3A_557, %dma_start3A_563] : memref<2x200xi32, #tpu.memory_space<vmem>> -> memref<1x72xi32, #tpu.memory_space<vmem>>
      %dma_start3A_565 = tpu.memref_squeeze %dma_start3A_564 : memref<1x72xi32, #tpu.memory_space<vmem>> -> memref<72xi32, #tpu.memory_space<vmem>>
      %dma_start3A_566 = arith.constant 0 : i32
      %dma_start3A_567 = arith.constant 0 : i32
      %dma_start3A_568 = tpu.memref_slice %arg5[%dma_start3A_566, %dma_start3A_567] : memref<1000x64xf32, #tpu.memory_space<vmem_shared>> -> memref<1000x64xf32, #tpu.memory_space<vmem_shared>>
      tpu.enqueue_indirect_dma source(%dma_start3A_568 : memref<1000x64xf32, #tpu.memory_space<vmem_shared>>) target(%dma_start3A_562 : memref<72x64xf32, #tpu.memory_space<vmem>>) offsets(%dma_start3A_565 : memref<72xi32, #tpu.memory_space<vmem>>) semaphore(%arg12 : memref<!tpu.dma_semaphore, #tpu.memory_space<semaphore_mem>>)
      %dma_wait3A_569 = arith.constant 0 : i32
      %dma_wait3A_570 = arith.constant 0 : i32
      %dma_wait3A_571 = arith.constant 0 : i32
      %dma_wait3A_572 = arith.constant 0 : i32
      %dma_wait3A_573 = tpu.memref_slice %arg8[%dma_wait3A_570, %dma_wait3A_571, %dma_wait3A_572] : memref<2x200x64xf32, #tpu.memory_space<vmem>> -> memref<1x128x64xf32, #tpu.memory_space<vmem>>
      %dma_wait3A_574 = tpu.memref_squeeze %dma_wait3A_573 : memref<1x128x64xf32, #tpu.memory_space<vmem>> -> memref<128x64xf32, #tpu.memory_space<vmem>>
      %dma_wait3A_575 = arith.constant 0 : i32
      %dma_wait3A_576 = tpu.memref_slice %arg6[%dma_wait3A_569, %dma_wait3A_575] : memref<2x200xi32, #tpu.memory_space<vmem>> -> memref<1x128xi32, #tpu.memory_space<vmem>>
      %dma_wait3A_577 = tpu.memref_squeeze %dma_wait3A_576 : memref<1x128xi32, #tpu.memory_space<vmem>> -> memref<128xi32, #tpu.memory_space<vmem>>
      %dma_wait3A_578 = arith.constant 0 : i32
      %dma_wait3A_579 = arith.constant 0 : i32
      %dma_wait3A_580 = tpu.memref_slice %arg5[%dma_wait3A_578, %dma_wait3A_579] : memref<1000x64xf32, #tpu.memory_space<vmem_shared>> -> memref<1000x64xf32, #tpu.memory_space<vmem_shared>>
      tpu.wait_indirect_dma semaphore(%arg12 : memref<!tpu.dma_semaphore, #tpu.memory_space<semaphore_mem>>) src(%dma_wait3A_580 : memref<1000x64xf32, #tpu.memory_space<vmem_shared>>) dst(%dma_wait3A_574 : memref<128x64xf32, #tpu.memory_space<vmem>>)
      %dma_wait3A_581 = arith.constant 0 : i32
      %dma_wait3A_582 = arith.constant 0 : i32
      %dma_wait3A_583 = arith.constant 128 : i32
      %dma_wait3A_584 = arith.constant 0 : i32
      %dma_wait3A_585 = tpu.memref_slice %arg8[%dma_wait3A_582, %dma_wait3A_583, %dma_wait3A_584] : memref<2x200x64xf32, #tpu.memory_space<vmem>> -> memref<1x72x64xf32, #tpu.memory_space<vmem>>
      %dma_wait3A_586 = tpu.memref_squeeze %dma_wait3A_585 : memref<1x72x64xf32, #tpu.memory_space<vmem>> -> memref<72x64xf32, #tpu.memory_space<vmem>>
      %dma_wait3A_587 = arith.constant 128 : i32
      %dma_wait3A_588 = tpu.memref_slice %arg6[%dma_wait3A_581, %dma_wait3A_587] : memref<2x200xi32, #tpu.memory_space<vmem>> -> memref<1x72xi32, #tpu.memory_space<vmem>>
      %dma_wait3A_589 = tpu.memref_squeeze %dma_wait3A_588 : memref<1x72xi32, #tpu.memory_space<vmem>> -> memref<72xi32, #tpu.memory_space<vmem>>
      %dma_wait3A_590 = arith.constant 0 : i32
      %dma_wait3A_591 = arith.constant 0 : i32
      %dma_wait3A_592 = tpu.memref_slice %arg5[%dma_wait3A_590, %dma_wait3A_591] : memref<1000x64xf32, #tpu.memory_space<vmem_shared>> -> memref<1000x64xf32, #tpu.memory_space<vmem_shared>>
      tpu.wait_indirect_dma semaphore(%arg12 : memref<!tpu.dma_semaphore, #tpu.memory_space<semaphore_mem>>) src(%dma_wait3A_592 : memref<1000x64xf32, #tpu.memory_space<vmem_shared>>) dst(%dma_wait3A_586 : memref<72x64xf32, #tpu.memory_space<vmem>>)
      %dma_wait3A_593 = arith.constant 1 : i32
      %dma_wait3A_594 = arith.constant 1 : i32
      %dma_wait3A_595 = arith.constant 0 : i32
      %dma_wait3A_596 = arith.constant 0 : i32
      %dma_wait3A_597 = tpu.memref_slice %arg8[%dma_wait3A_594, %dma_wait3A_595, %dma_wait3A_596] : memref<2x200x64xf32, #tpu.memory_space<vmem>> -> memref<1x128x64xf32, #tpu.memory_space<vmem>>
      %dma_wait3A_598 = tpu.memref_squeeze %dma_wait3A_597 : memref<1x128x64xf32, #tpu.memory_space<vmem>> -> memref<128x64xf32, #tpu.memory_space<vmem>>
      %dma_wait3A_599 = arith.constant 0 : i32
      %dma_wait3A_600 = tpu.memref_slice %arg6[%dma_wait3A_593, %dma_wait3A_599] : memref<2x200xi32, #tpu.memory_space<vmem>> -> memref<1x128xi32, #tpu.memory_space<vmem>>
      %dma_wait3A_601 = tpu.memref_squeeze %dma_wait3A_600 : memref<1x128xi32, #tpu.memory_space<vmem>> -> memref<128xi32, #tpu.memory_space<vmem>>
      %dma_wait3A_602 = arith.constant 0 : i32
      %dma_wait3A_603 = arith.constant 0 : i32
      %dma_wait3A_604 = tpu.memref_slice %arg5[%dma_wait3A_602, %dma_wait3A_603] : memref<1000x64xf32, #tpu.memory_space<vmem_shared>> -> memref<1000x64xf32, #tpu.memory_space<vmem_shared>>
      tpu.wait_indirect_dma semaphore(%arg12 : memref<!tpu.dma_semaphore, #tpu.memory_space<semaphore_mem>>) src(%dma_wait3A_604 : memref<1000x64xf32, #tpu.memory_space<vmem_shared>>) dst(%dma_wait3A_598 : memref<128x64xf32, #tpu.memory_space<vmem>>)
      %dma_wait3A_605 = arith.constant 1 : i32
      %dma_wait3A_606 = arith.constant 1 : i32
      %dma_wait3A_607 = arith.constant 128 : i32
      %dma_wait3A_608 = arith.constant 0 : i32
      %dma_wait3A_609 = tpu.memref_slice %arg8[%dma_wait3A_606, %dma_wait3A_607, %dma_wait3A_608] : memref<2x200x64xf32, #tpu.memory_space<vmem>> -> memref<1x72x64xf32, #tpu.memory_space<vmem>>
      %dma_wait3A_610 = tpu.memref_squeeze %dma_wait3A_609 : memref<1x72x64xf32, #tpu.memory_space<vmem>> -> memref<72x64xf32, #tpu.memory_space<vmem>>
      %dma_wait3A_611 = arith.constant 128 : i32
      %dma_wait3A_612 = tpu.memref_slice %arg6[%dma_wait3A_605, %dma_wait3A_611] : memref<2x200xi32, #tpu.memory_space<vmem>> -> memref<1x72xi32, #tpu.memory_space<vmem>>
      %dma_wait3A_613 = tpu.memref_squeeze %dma_wait3A_612 : memref<1x72xi32, #tpu.memory_space<vmem>> -> memref<72xi32, #tpu.memory_space<vmem>>
      %dma_wait3A_614 = arith.constant 0 : i32
      %dma_wait3A_615 = arith.constant 0 : i32
      %dma_wait3A_616 = tpu.memref_slice %arg5[%dma_wait3A_614, %dma_wait3A_615] : memref<1000x64xf32, #tpu.memory_space<vmem_shared>> -> memref<1000x64xf32, #tpu.memory_space<vmem_shared>>
      tpu.wait_indirect_dma semaphore(%arg12 : memref<!tpu.dma_semaphore, #tpu.memory_space<semaphore_mem>>) src(%dma_wait3A_616 : memref<1000x64xf32, #tpu.memory_space<vmem_shared>>) dst(%dma_wait3A_610 : memref<72x64xf32, #tpu.memory_space<vmem>>)
      %add3A_617 = arith.constant 2 : i32
      %add3A_618 = arith.addi %mul3A_506, %add3A_617 : i32
      %mul3A_619 = arith.constant 2 : i32
      %mul3A_620 = arith.muli %add3A_618, %mul3A_619 : i32
      %add3A_621 = arith.addi %mul3A_2, %mul3A_620 : i32
      %dma_start3A_622 = arith.constant 0 : i32
      %dma_start3A_623 = tpu.memref_slice %arg2[%add3A_621, %dma_start3A_622] : memref<4096x200xi32, #tpu.memory_space<hbm>> -> memref<2x200xi32, #tpu.memory_space<hbm>>
      %dma_start3A_624 = arith.constant 0 : i32
      %dma_start3A_625 = tpu.memref_slice %arg2[%add3A_621, %dma_start3A_624] : memref<4096x200xi32, #tpu.memory_space<hbm>> -> memref<2x200xi32, #tpu.memory_space<hbm>>
      tpu.enqueue_dma source(%dma_start3A_625 : memref<2x200xi32, #tpu.memory_space<hbm>>) target(%arg6 : memref<2x200xi32, #tpu.memory_space<vmem>>) target_semaphore(%arg10 : memref<!tpu.dma_semaphore, #tpu.memory_space<semaphore_mem>>)
      %mul3A_626 = arith.constant 2 : i32
      %mul3A_627 = arith.muli %mul3A_506, %mul3A_626 : i32
      %add3A_628 = arith.addi %mul3A_2, %mul3A_627 : i32
      %dma_start3A_629 = arith.constant 0 : i32
      %dma_start3A_630 = arith.constant 0 : i32
      %dma_start3A_631 = tpu.memref_slice %arg4[%add3A_628, %dma_start3A_629, %dma_start3A_630] : memref<4096x200x64xf32, #tpu.memory_space<hbm>> -> memref<2x200x64xf32, #tpu.memory_space<hbm>>
      %dma_start3A_632 = arith.constant 0 : i32
      %dma_start3A_633 = arith.constant 0 : i32
      %dma_start3A_634 = tpu.memref_slice %arg4[%add3A_628, %dma_start3A_632, %dma_start3A_633] : memref<4096x200x64xf32, #tpu.memory_space<hbm>> -> memref<2x200x64xf32, #tpu.memory_space<hbm>>
      tpu.enqueue_dma source(%arg8 : memref<2x200x64xf32, #tpu.memory_space<vmem>>) target(%dma_start3A_634 : memref<2x200x64xf32, #tpu.memory_space<hbm>>) target_semaphore(%arg14 : memref<!tpu.dma_semaphore, #tpu.memory_space<semaphore_mem>>)
      %add3A_635 = arith.constant 1 : i32
      %add3A_636 = arith.addi %mul3A_506, %add3A_635 : i32
      %dma_wait3A_637 = arith.constant 0 : i32
      %dma_wait3A_638 = arith.constant 0 : i32
      %dma_wait3A_639 = tpu.memref_slice %arg2[%dma_wait3A_637, %dma_wait3A_638] : memref<4096x200xi32, #tpu.memory_space<hbm>> -> memref<2x200xi32, #tpu.memory_space<hbm>>
      %dma_wait3A_640 = arith.constant 0 : i32
      %dma_wait3A_641 = arith.constant 0 : i32
      %dma_wait3A_642 = tpu.memref_slice %arg2[%dma_wait3A_640, %dma_wait3A_641] : memref<4096x200xi32, #tpu.memory_space<hbm>> -> memref<2x200xi32, #tpu.memory_space<hbm>>
      tpu.wait_dma2 semaphore(%arg11 : memref<!tpu.dma_semaphore, #tpu.memory_space<semaphore_mem>>) src(%dma_wait3A_642 : memref<2x200xi32, #tpu.memory_space<hbm>>) dst(%arg7 : memref<2x200xi32, #tpu.memory_space<vmem>>)
      %dma_wait3A_643 = arith.constant 0 : i32
      %dma_wait3A_644 = arith.constant 0 : i32
      %dma_wait3A_645 = arith.constant 0 : i32
      %dma_wait3A_646 = tpu.memref_slice %arg4[%dma_wait3A_643, %dma_wait3A_644, %dma_wait3A_645] : memref<4096x200x64xf32, #tpu.memory_space<hbm>> -> memref<2x200x64xf32, #tpu.memory_space<hbm>>
      %dma_wait3A_647 = arith.constant 0 : i32
      %dma_wait3A_648 = arith.constant 0 : i32
      %dma_wait3A_649 = arith.constant 0 : i32
      %dma_wait3A_650 = tpu.memref_slice %arg4[%dma_wait3A_647, %dma_wait3A_648, %dma_wait3A_649] : memref<4096x200x64xf32, #tpu.memory_space<hbm>> -> memref<2x200x64xf32, #tpu.memory_space<hbm>>
      tpu.wait_dma2 semaphore(%arg15 : memref<!tpu.dma_semaphore, #tpu.memory_space<semaphore_mem>>) src(%arg9 : memref<2x200x64xf32, #tpu.memory_space<vmem>>) dst(%dma_wait3A_650 : memref<2x200x64xf32, #tpu.memory_space<hbm>>)
      %dma_start3A_651 = arith.constant 0 : i32
      %dma_start3A_652 = arith.constant 0 : i32
      %dma_start3A_653 = arith.constant 0 : i32
      %dma_start3A_654 = arith.constant 0 : i32
      %dma_start3A_655 = tpu.memref_slice %arg9[%dma_start3A_652, %dma_start3A_653, %dma_start3A_654] : memref<2x200x64xf32, #tpu.memory_space<vmem>> -> memref<1x128x64xf32, #tpu.memory_space<vmem>>
      %dma_start3A_656 = tpu.memref_squeeze %dma_start3A_655 : memref<1x128x64xf32, #tpu.memory_space<vmem>> -> memref<128x64xf32, #tpu.memory_space<vmem>>
      %dma_start3A_657 = arith.constant 0 : i32
      %dma_start3A_658 = tpu.memref_slice %arg7[%dma_start3A_651, %dma_start3A_657] : memref<2x200xi32, #tpu.memory_space<vmem>> -> memref<1x128xi32, #tpu.memory_space<vmem>>
      %dma_start3A_659 = tpu.memref_squeeze %dma_start3A_658 : memref<1x128xi32, #tpu.memory_space<vmem>> -> memref<128xi32, #tpu.memory_space<vmem>>
      %dma_start3A_660 = arith.constant 0 : i32
      %dma_start3A_661 = arith.constant 0 : i32
      %dma_start3A_662 = tpu.memref_slice %arg5[%dma_start3A_660, %dma_start3A_661] : memref<1000x64xf32, #tpu.memory_space<vmem_shared>> -> memref<1000x64xf32, #tpu.memory_space<vmem_shared>>
      tpu.enqueue_indirect_dma source(%dma_start3A_662 : memref<1000x64xf32, #tpu.memory_space<vmem_shared>>) target(%dma_start3A_656 : memref<128x64xf32, #tpu.memory_space<vmem>>) offsets(%dma_start3A_659 : memref<128xi32, #tpu.memory_space<vmem>>) semaphore(%arg13 : memref<!tpu.dma_semaphore, #tpu.memory_space<semaphore_mem>>)
      %dma_start3A_663 = arith.constant 0 : i32
      %dma_start3A_664 = arith.constant 0 : i32
      %dma_start3A_665 = arith.constant 128 : i32
      %dma_start3A_666 = arith.constant 0 : i32
      %dma_start3A_667 = tpu.memref_slice %arg9[%dma_start3A_664, %dma_start3A_665, %dma_start3A_666] : memref<2x200x64xf32, #tpu.memory_space<vmem>> -> memref<1x72x64xf32, #tpu.memory_space<vmem>>
      %dma_start3A_668 = tpu.memref_squeeze %dma_start3A_667 : memref<1x72x64xf32, #tpu.memory_space<vmem>> -> memref<72x64xf32, #tpu.memory_space<vmem>>
      %dma_start3A_669 = arith.constant 128 : i32
      %dma_start3A_670 = tpu.memref_slice %arg7[%dma_start3A_663, %dma_start3A_669] : memref<2x200xi32, #tpu.memory_space<vmem>> -> memref<1x72xi32, #tpu.memory_space<vmem>>
      %dma_start3A_671 = tpu.memref_squeeze %dma_start3A_670 : memref<1x72xi32, #tpu.memory_space<vmem>> -> memref<72xi32, #tpu.memory_space<vmem>>
      %dma_start3A_672 = arith.constant 0 : i32
      %dma_start3A_673 = arith.constant 0 : i32
      %dma_start3A_674 = tpu.memref_slice %arg5[%dma_start3A_672, %dma_start3A_673] : memref<1000x64xf32, #tpu.memory_space<vmem_shared>> -> memref<1000x64xf32, #tpu.memory_space<vmem_shared>>
      tpu.enqueue_indirect_dma source(%dma_start3A_674 : memref<1000x64xf32, #tpu.memory_space<vmem_shared>>) target(%dma_start3A_668 : memref<72x64xf32, #tpu.memory_space<vmem>>) offsets(%dma_start3A_671 : memref<72xi32, #tpu.memory_space<vmem>>) semaphore(%arg13 : memref<!tpu.dma_semaphore, #tpu.memory_space<semaphore_mem>>)
      %dma_start3A_675 = arith.constant 1 : i32
      %dma_start3A_676 = arith.constant 1 : i32
      %dma_start3A_677 = arith.constant 0 : i32
      %dma_start3A_678 = arith.constant 0 : i32
      %dma_start3A_679 = tpu.memref_slice %arg9[%dma_start3A_676, %dma_start3A_677, %dma_start3A_678] : memref<2x200x64xf32, #tpu.memory_space<vmem>> -> memref<1x128x64xf32, #tpu.memory_space<vmem>>
      %dma_start3A_680 = tpu.memref_squeeze %dma_start3A_679 : memref<1x128x64xf32, #tpu.memory_space<vmem>> -> memref<128x64xf32, #tpu.memory_space<vmem>>
      %dma_start3A_681 = arith.constant 0 : i32
      %dma_start3A_682 = tpu.memref_slice %arg7[%dma_start3A_675, %dma_start3A_681] : memref<2x200xi32, #tpu.memory_space<vmem>> -> memref<1x128xi32, #tpu.memory_space<vmem>>
      %dma_start3A_683 = tpu.memref_squeeze %dma_start3A_682 : memref<1x128xi32, #tpu.memory_space<vmem>> -> memref<128xi32, #tpu.memory_space<vmem>>
      %dma_start3A_684 = arith.constant 0 : i32
      %dma_start3A_685 = arith.constant 0 : i32
      %dma_start3A_686 = tpu.memref_slice %arg5[%dma_start3A_684, %dma_start3A_685] : memref<1000x64xf32, #tpu.memory_space<vmem_shared>> -> memref<1000x64xf32, #tpu.memory_space<vmem_shared>>
      tpu.enqueue_indirect_dma source(%dma_start3A_686 : memref<1000x64xf32, #tpu.memory_space<vmem_shared>>) target(%dma_start3A_680 : memref<128x64xf32, #tpu.memory_space<vmem>>) offsets(%dma_start3A_683 : memref<128xi32, #tpu.memory_space<vmem>>) semaphore(%arg13 : memref<!tpu.dma_semaphore, #tpu.memory_space<semaphore_mem>>)
      %dma_start3A_687 = arith.constant 1 : i32
      %dma_start3A_688 = arith.constant 1 : i32
      %dma_start3A_689 = arith.constant 128 : i32
      %dma_start3A_690 = arith.constant 0 : i32
      %dma_start3A_691 = tpu.memref_slice %arg9[%dma_start3A_688, %dma_start3A_689, %dma_start3A_690] : memref<2x200x64xf32, #tpu.memory_space<vmem>> -> memref<1x72x64xf32, #tpu.memory_space<vmem>>
      %dma_start3A_692 = tpu.memref_squeeze %dma_start3A_691 : memref<1x72x64xf32, #tpu.memory_space<vmem>> -> memref<72x64xf32, #tpu.memory_space<vmem>>
      %dma_start3A_693 = arith.constant 128 : i32
      %dma_start3A_694 = tpu.memref_slice %arg7[%dma_start3A_687, %dma_start3A_693] : memref<2x200xi32, #tpu.memory_space<vmem>> -> memref<1x72xi32, #tpu.memory_space<vmem>>
      %dma_start3A_695 = tpu.memref_squeeze %dma_start3A_694 : memref<1x72xi32, #tpu.memory_space<vmem>> -> memref<72xi32, #tpu.memory_space<vmem>>
      %dma_start3A_696 = arith.constant 0 : i32
      %dma_start3A_697 = arith.constant 0 : i32
      %dma_start3A_698 = tpu.memref_slice %arg5[%dma_start3A_696, %dma_start3A_697] : memref<1000x64xf32, #tpu.memory_space<vmem_shared>> -> memref<1000x64xf32, #tpu.memory_space<vmem_shared>>
      tpu.enqueue_indirect_dma source(%dma_start3A_698 : memref<1000x64xf32, #tpu.memory_space<vmem_shared>>) target(%dma_start3A_692 : memref<72x64xf32, #tpu.memory_space<vmem>>) offsets(%dma_start3A_695 : memref<72xi32, #tpu.memory_space<vmem>>) semaphore(%arg13 : memref<!tpu.dma_semaphore, #tpu.memory_space<semaphore_mem>>)
      %dma_wait3A_699 = arith.constant 0 : i32
      %dma_wait3A_700 = arith.constant 0 : i32
      %dma_wait3A_701 = arith.constant 0 : i32
      %dma_wait3A_702 = arith.constant 0 : i32
      %dma_wait3A_703 = tpu.memref_slice %arg9[%dma_wait3A_700, %dma_wait3A_701, %dma_wait3A_702] : memref<2x200x64xf32, #tpu.memory_space<vmem>> -> memref<1x128x64xf32, #tpu.memory_space<vmem>>
      %dma_wait3A_704 = tpu.memref_squeeze %dma_wait3A_703 : memref<1x128x64xf32, #tpu.memory_space<vmem>> -> memref<128x64xf32, #tpu.memory_space<vmem>>
      %dma_wait3A_705 = arith.constant 0 : i32
      %dma_wait3A_706 = tpu.memref_slice %arg7[%dma_wait3A_699, %dma_wait3A_705] : memref<2x200xi32, #tpu.memory_space<vmem>> -> memref<1x128xi32, #tpu.memory_space<vmem>>
      %dma_wait3A_707 = tpu.memref_squeeze %dma_wait3A_706 : memref<1x128xi32, #tpu.memory_space<vmem>> -> memref<128xi32, #tpu.memory_space<vmem>>
      %dma_wait3A_708 = arith.constant 0 : i32
      %dma_wait3A_709 = arith.constant 0 : i32
      %dma_wait3A_710 = tpu.memref_slice %arg5[%dma_wait3A_708, %dma_wait3A_709] : memref<1000x64xf32, #tpu.memory_space<vmem_shared>> -> memref<1000x64xf32, #tpu.memory_space<vmem_shared>>
      tpu.wait_indirect_dma semaphore(%arg13 : memref<!tpu.dma_semaphore, #tpu.memory_space<semaphore_mem>>) src(%dma_wait3A_710 : memref<1000x64xf32, #tpu.memory_space<vmem_shared>>) dst(%dma_wait3A_704 : memref<128x64xf32, #tpu.memory_space<vmem>>)
      %dma_wait3A_711 = arith.constant 0 : i32
      %dma_wait3A_712 = arith.constant 0 : i32
      %dma_wait3A_713 = arith.constant 128 : i32
      %dma_wait3A_714 = arith.constant 0 : i32
      %dma_wait3A_715 = tpu.memref_slice %arg9[%dma_wait3A_712, %dma_wait3A_713, %dma_wait3A_714] : memref<2x200x64xf32, #tpu.memory_space<vmem>> -> memref<1x72x64xf32, #tpu.memory_space<vmem>>
      %dma_wait3A_716 = tpu.memref_squeeze %dma_wait3A_715 : memref<1x72x64xf32, #tpu.memory_space<vmem>> -> memref<72x64xf32, #tpu.memory_space<vmem>>
      %dma_wait3A_717 = arith.constant 128 : i32
      %dma_wait3A_718 = tpu.memref_slice %arg7[%dma_wait3A_711, %dma_wait3A_717] : memref<2x200xi32, #tpu.memory_space<vmem>> -> memref<1x72xi32, #tpu.memory_space<vmem>>
      %dma_wait3A_719 = tpu.memref_squeeze %dma_wait3A_718 : memref<1x72xi32, #tpu.memory_space<vmem>> -> memref<72xi32, #tpu.memory_space<vmem>>
      %dma_wait3A_720 = arith.constant 0 : i32
      %dma_wait3A_721 = arith.constant 0 : i32
      %dma_wait3A_722 = tpu.memref_slice %arg5[%dma_wait3A_720, %dma_wait3A_721] : memref<1000x64xf32, #tpu.memory_space<vmem_shared>> -> memref<1000x64xf32, #tpu.memory_space<vmem_shared>>
      tpu.wait_indirect_dma semaphore(%arg13 : memref<!tpu.dma_semaphore, #tpu.memory_space<semaphore_mem>>) src(%dma_wait3A_722 : memref<1000x64xf32, #tpu.memory_space<vmem_shared>>) dst(%dma_wait3A_716 : memref<72x64xf32, #tpu.memory_space<vmem>>)
      %dma_wait3A_723 = arith.constant 1 : i32
      %dma_wait3A_724 = arith.constant 1 : i32
      %dma_wait3A_725 = arith.constant 0 : i32
      %dma_wait3A_726 = arith.constant 0 : i32
      %dma_wait3A_727 = tpu.memref_slice %arg9[%dma_wait3A_724, %dma_wait3A_725, %dma_wait3A_726] : memref<2x200x64xf32, #tpu.memory_space<vmem>> -> memref<1x128x64xf32, #tpu.memory_space<vmem>>
      %dma_wait3A_728 = tpu.memref_squeeze %dma_wait3A_727 : memref<1x128x64xf32, #tpu.memory_space<vmem>> -> memref<128x64xf32, #tpu.memory_space<vmem>>
      %dma_wait3A_729 = arith.constant 0 : i32
      %dma_wait3A_730 = tpu.memref_slice %arg7[%dma_wait3A_723, %dma_wait3A_729] : memref<2x200xi32, #tpu.memory_space<vmem>> -> memref<1x128xi32, #tpu.memory_space<vmem>>
      %dma_wait3A_731 = tpu.memref_squeeze %dma_wait3A_730 : memref<1x128xi32, #tpu.memory_space<vmem>> -> memref<128xi32, #tpu.memory_space<vmem>>
      %dma_wait3A_732 = arith.constant 0 : i32
      %dma_wait3A_733 = arith.constant 0 : i32
      %dma_wait3A_734 = tpu.memref_slice %arg5[%dma_wait3A_732, %dma_wait3A_733] : memref<1000x64xf32, #tpu.memory_space<vmem_shared>> -> memref<1000x64xf32, #tpu.memory_space<vmem_shared>>
      tpu.wait_indirect_dma semaphore(%arg13 : memref<!tpu.dma_semaphore, #tpu.memory_space<semaphore_mem>>) src(%dma_wait3A_734 : memref<1000x64xf32, #tpu.memory_space<vmem_shared>>) dst(%dma_wait3A_728 : memref<128x64xf32, #tpu.memory_space<vmem>>)
      %dma_wait3A_735 = arith.constant 1 : i32
      %dma_wait3A_736 = arith.constant 1 : i32
      %dma_wait3A_737 = arith.constant 128 : i32
      %dma_wait3A_738 = arith.constant 0 : i32
      %dma_wait3A_739 = tpu.memref_slice %arg9[%dma_wait3A_736, %dma_wait3A_737, %dma_wait3A_738] : memref<2x200x64xf32, #tpu.memory_space<vmem>> -> memref<1x72x64xf32, #tpu.memory_space<vmem>>
      %dma_wait3A_740 = tpu.memref_squeeze %dma_wait3A_739 : memref<1x72x64xf32, #tpu.memory_space<vmem>> -> memref<72x64xf32, #tpu.memory_space<vmem>>
      %dma_wait3A_741 = arith.constant 128 : i32
      %dma_wait3A_742 = tpu.memref_slice %arg7[%dma_wait3A_735, %dma_wait3A_741] : memref<2x200xi32, #tpu.memory_space<vmem>> -> memref<1x72xi32, #tpu.memory_space<vmem>>
      %dma_wait3A_743 = tpu.memref_squeeze %dma_wait3A_742 : memref<1x72xi32, #tpu.memory_space<vmem>> -> memref<72xi32, #tpu.memory_space<vmem>>
      %dma_wait3A_744 = arith.constant 0 : i32
      %dma_wait3A_745 = arith.constant 0 : i32
      %dma_wait3A_746 = tpu.memref_slice %arg5[%dma_wait3A_744, %dma_wait3A_745] : memref<1000x64xf32, #tpu.memory_space<vmem_shared>> -> memref<1000x64xf32, #tpu.memory_space<vmem_shared>>
      tpu.wait_indirect_dma semaphore(%arg13 : memref<!tpu.dma_semaphore, #tpu.memory_space<semaphore_mem>>) src(%dma_wait3A_746 : memref<1000x64xf32, #tpu.memory_space<vmem_shared>>) dst(%dma_wait3A_740 : memref<72x64xf32, #tpu.memory_space<vmem>>)
      %add3A_747 = arith.constant 2 : i32
      %add3A_748 = arith.addi %add3A_636, %add3A_747 : i32
      %mul3A_749 = arith.constant 2 : i32
      %mul3A_750 = arith.muli %add3A_748, %mul3A_749 : i32
      %add3A_751 = arith.addi %mul3A_2, %mul3A_750 : i32
      %dma_start3A_752 = arith.constant 0 : i32
      %dma_start3A_753 = tpu.memref_slice %arg2[%add3A_751, %dma_start3A_752] : memref<4096x200xi32, #tpu.memory_space<hbm>> -> memref<2x200xi32, #tpu.memory_space<hbm>>
      %dma_start3A_754 = arith.constant 0 : i32
      %dma_start3A_755 = tpu.memref_slice %arg2[%add3A_751, %dma_start3A_754] : memref<4096x200xi32, #tpu.memory_space<hbm>> -> memref<2x200xi32, #tpu.memory_space<hbm>>
      tpu.enqueue_dma source(%dma_start3A_755 : memref<2x200xi32, #tpu.memory_space<hbm>>) target(%arg7 : memref<2x200xi32, #tpu.memory_space<vmem>>) target_semaphore(%arg11 : memref<!tpu.dma_semaphore, #tpu.memory_space<semaphore_mem>>)
      %mul3A_756 = arith.constant 2 : i32
      %mul3A_757 = arith.muli %add3A_636, %mul3A_756 : i32
      %add3A_758 = arith.addi %mul3A_2, %mul3A_757 : i32
      %dma_start3A_759 = arith.constant 0 : i32
      %dma_start3A_760 = arith.constant 0 : i32
      %dma_start3A_761 = tpu.memref_slice %arg4[%add3A_758, %dma_start3A_759, %dma_start3A_760] : memref<4096x200x64xf32, #tpu.memory_space<hbm>> -> memref<2x200x64xf32, #tpu.memory_space<hbm>>
      %dma_start3A_762 = arith.constant 0 : i32
      %dma_start3A_763 = arith.constant 0 : i32
      %dma_start3A_764 = tpu.memref_slice %arg4[%add3A_758, %dma_start3A_762, %dma_start3A_763] : memref<4096x200x64xf32, #tpu.memory_space<hbm>> -> memref<2x200x64xf32, #tpu.memory_space<hbm>>
      tpu.enqueue_dma source(%arg9 : memref<2x200x64xf32, #tpu.memory_space<vmem>>) target(%dma_start3A_764 : memref<2x200x64xf32, #tpu.memory_space<hbm>>) target_semaphore(%arg15 : memref<!tpu.dma_semaphore, #tpu.memory_space<semaphore_mem>>)
    }
    %scan3A_251 = arith.constant 30 : i32
    %dma_wait3A_252 = arith.constant 0 : i32
    %dma_wait3A_253 = arith.constant 0 : i32
    %dma_wait3A_254 = tpu.memref_slice %arg2[%dma_wait3A_252, %dma_wait3A_253] : memref<4096x200xi32, #tpu.memory_space<hbm>> -> memref<2x200xi32, #tpu.memory_space<hbm>>
    %dma_wait3A_255 = arith.constant 0 : i32
    %dma_wait3A_256 = arith.constant 0 : i32
    %dma_wait3A_257 = tpu.memref_slice %arg2[%dma_wait3A_255, %dma_wait3A_256] : memref<4096x200xi32, #tpu.memory_space<hbm>> -> memref<2x200xi32, #tpu.memory_space<hbm>>
    tpu.wait_dma2 semaphore(%arg10 : memref<!tpu.dma_semaphore, #tpu.memory_space<semaphore_mem>>) src(%dma_wait3A_257 : memref<2x200xi32, #tpu.memory_space<hbm>>) dst(%arg6 : memref<2x200xi32, #tpu.memory_space<vmem>>)
    %dma_wait3A_258 = arith.constant 0 : i32
    %dma_wait3A_259 = arith.constant 0 : i32
    %dma_wait3A_260 = arith.constant 0 : i32
    %dma_wait3A_261 = tpu.memref_slice %arg4[%dma_wait3A_258, %dma_wait3A_259, %dma_wait3A_260] : memref<4096x200x64xf32, #tpu.memory_space<hbm>> -> memref<2x200x64xf32, #tpu.memory_space<hbm>>
    %dma_wait3A_262 = arith.constant 0 : i32
    %dma_wait3A_263 = arith.constant 0 : i32
    %dma_wait3A_264 = arith.constant 0 : i32
    %dma_wait3A_265 = tpu.memref_slice %arg4[%dma_wait3A_262, %dma_wait3A_263, %dma_wait3A_264] : memref<4096x200x64xf32, #tpu.memory_space<hbm>> -> memref<2x200x64xf32, #tpu.memory_space<hbm>>
    tpu.wait_dma2 semaphore(%arg14 : memref<!tpu.dma_semaphore, #tpu.memory_space<semaphore_mem>>) src(%arg8 : memref<2x200x64xf32, #tpu.memory_space<vmem>>) dst(%dma_wait3A_265 : memref<2x200x64xf32, #tpu.memory_space<hbm>>)
    %dma_start3A_266 = arith.constant 0 : i32
    %dma_start3A_267 = arith.constant 0 : i32
    %dma_start3A_268 = arith.constant 0 : i32
    %dma_start3A_269 = arith.constant 0 : i32
    %dma_start3A_270 = tpu.memref_slice %arg8[%dma_start3A_267, %dma_start3A_268, %dma_start3A_269] : memref<2x200x64xf32, #tpu.memory_space<vmem>> -> memref<1x128x64xf32, #tpu.memory_space<vmem>>
    %dma_start3A_271 = tpu.memref_squeeze %dma_start3A_270 : memref<1x128x64xf32, #tpu.memory_space<vmem>> -> memref<128x64xf32, #tpu.memory_space<vmem>>
    %dma_start3A_272 = arith.constant 0 : i32
    %dma_start3A_273 = tpu.memref_slice %arg6[%dma_start3A_266, %dma_start3A_272] : memref<2x200xi32, #tpu.memory_space<vmem>> -> memref<1x128xi32, #tpu.memory_space<vmem>>
    %dma_start3A_274 = tpu.memref_squeeze %dma_start3A_273 : memref<1x128xi32, #tpu.memory_space<vmem>> -> memref<128xi32, #tpu.memory_space<vmem>>
    %dma_start3A_275 = arith.constant 0 : i32
    %dma_start3A_276 = arith.constant 0 : i32
    %dma_start3A_277 = tpu.memref_slice %arg5[%dma_start3A_275, %dma_start3A_276] : memref<1000x64xf32, #tpu.memory_space<vmem_shared>> -> memref<1000x64xf32, #tpu.memory_space<vmem_shared>>
    tpu.enqueue_indirect_dma source(%dma_start3A_277 : memref<1000x64xf32, #tpu.memory_space<vmem_shared>>) target(%dma_start3A_271 : memref<128x64xf32, #tpu.memory_space<vmem>>) offsets(%dma_start3A_274 : memref<128xi32, #tpu.memory_space<vmem>>) semaphore(%arg12 : memref<!tpu.dma_semaphore, #tpu.memory_space<semaphore_mem>>)
    %dma_start3A_278 = arith.constant 0 : i32
    %dma_start3A_279 = arith.constant 0 : i32
    %dma_start3A_280 = arith.constant 128 : i32
    %dma_start3A_281 = arith.constant 0 : i32
    %dma_start3A_282 = tpu.memref_slice %arg8[%dma_start3A_279, %dma_start3A_280, %dma_start3A_281] : memref<2x200x64xf32, #tpu.memory_space<vmem>> -> memref<1x72x64xf32, #tpu.memory_space<vmem>>
    %dma_start3A_283 = tpu.memref_squeeze %dma_start3A_282 : memref<1x72x64xf32, #tpu.memory_space<vmem>> -> memref<72x64xf32, #tpu.memory_space<vmem>>
    %dma_start3A_284 = arith.constant 128 : i32
    %dma_start3A_285 = tpu.memref_slice %arg6[%dma_start3A_278, %dma_start3A_284] : memref<2x200xi32, #tpu.memory_space<vmem>> -> memref<1x72xi32, #tpu.memory_space<vmem>>
    %dma_start3A_286 = tpu.memref_squeeze %dma_start3A_285 : memref<1x72xi32, #tpu.memory_space<vmem>> -> memref<72xi32, #tpu.memory_space<vmem>>
    %dma_start3A_287 = arith.constant 0 : i32
    %dma_start3A_288 = arith.constant 0 : i32
    %dma_start3A_289 = tpu.memref_slice %arg5[%dma_start3A_287, %dma_start3A_288] : memref<1000x64xf32, #tpu.memory_space<vmem_shared>> -> memref<1000x64xf32, #tpu.memory_space<vmem_shared>>
    tpu.enqueue_indirect_dma source(%dma_start3A_289 : memref<1000x64xf32, #tpu.memory_space<vmem_shared>>) target(%dma_start3A_283 : memref<72x64xf32, #tpu.memory_space<vmem>>) offsets(%dma_start3A_286 : memref<72xi32, #tpu.memory_space<vmem>>) semaphore(%arg12 : memref<!tpu.dma_semaphore, #tpu.memory_space<semaphore_mem>>)
    %dma_start3A_290 = arith.constant 1 : i32
    %dma_start3A_291 = arith.constant 1 : i32
    %dma_start3A_292 = arith.constant 0 : i32
    %dma_start3A_293 = arith.constant 0 : i32
    %dma_start3A_294 = tpu.memref_slice %arg8[%dma_start3A_291, %dma_start3A_292, %dma_start3A_293] : memref<2x200x64xf32, #tpu.memory_space<vmem>> -> memref<1x128x64xf32, #tpu.memory_space<vmem>>
    %dma_start3A_295 = tpu.memref_squeeze %dma_start3A_294 : memref<1x128x64xf32, #tpu.memory_space<vmem>> -> memref<128x64xf32, #tpu.memory_space<vmem>>
    %dma_start3A_296 = arith.constant 0 : i32
    %dma_start3A_297 = tpu.memref_slice %arg6[%dma_start3A_290, %dma_start3A_296] : memref<2x200xi32, #tpu.memory_space<vmem>> -> memref<1x128xi32, #tpu.memory_space<vmem>>
    %dma_start3A_298 = tpu.memref_squeeze %dma_start3A_297 : memref<1x128xi32, #tpu.memory_space<vmem>> -> memref<128xi32, #tpu.memory_space<vmem>>
    %dma_start3A_299 = arith.constant 0 : i32
    %dma_start3A_300 = arith.constant 0 : i32
    %dma_start3A_301 = tpu.memref_slice %arg5[%dma_start3A_299, %dma_start3A_300] : memref<1000x64xf32, #tpu.memory_space<vmem_shared>> -> memref<1000x64xf32, #tpu.memory_space<vmem_shared>>
    tpu.enqueue_indirect_dma source(%dma_start3A_301 : memref<1000x64xf32, #tpu.memory_space<vmem_shared>>) target(%dma_start3A_295 : memref<128x64xf32, #tpu.memory_space<vmem>>) offsets(%dma_start3A_298 : memref<128xi32, #tpu.memory_space<vmem>>) semaphore(%arg12 : memref<!tpu.dma_semaphore, #tpu.memory_space<semaphore_mem>>)
    %dma_start3A_302 = arith.constant 1 : i32
    %dma_start3A_303 = arith.constant 1 : i32
    %dma_start3A_304 = arith.constant 128 : i32
    %dma_start3A_305 = arith.constant 0 : i32
    %dma_start3A_306 = tpu.memref_slice %arg8[%dma_start3A_303, %dma_start3A_304, %dma_start3A_305] : memref<2x200x64xf32, #tpu.memory_space<vmem>> -> memref<1x72x64xf32, #tpu.memory_space<vmem>>
    %dma_start3A_307 = tpu.memref_squeeze %dma_start3A_306 : memref<1x72x64xf32, #tpu.memory_space<vmem>> -> memref<72x64xf32, #tpu.memory_space<vmem>>
    %dma_start3A_308 = arith.constant 128 : i32
    %dma_start3A_309 = tpu.memref_slice %arg6[%dma_start3A_302, %dma_start3A_308] : memref<2x200xi32, #tpu.memory_space<vmem>> -> memref<1x72xi32, #tpu.memory_space<vmem>>
    %dma_start3A_310 = tpu.memref_squeeze %dma_start3A_309 : memref<1x72xi32, #tpu.memory_space<vmem>> -> memref<72xi32, #tpu.memory_space<vmem>>
    %dma_start3A_311 = arith.constant 0 : i32
    %dma_start3A_312 = arith.constant 0 : i32
    %dma_start3A_313 = tpu.memref_slice %arg5[%dma_start3A_311, %dma_start3A_312] : memref<1000x64xf32, #tpu.memory_space<vmem_shared>> -> memref<1000x64xf32, #tpu.memory_space<vmem_shared>>
    tpu.enqueue_indirect_dma source(%dma_start3A_313 : memref<1000x64xf32, #tpu.memory_space<vmem_shared>>) target(%dma_start3A_307 : memref<72x64xf32, #tpu.memory_space<vmem>>) offsets(%dma_start3A_310 : memref<72xi32, #tpu.memory_space<vmem>>) semaphore(%arg12 : memref<!tpu.dma_semaphore, #tpu.memory_space<semaphore_mem>>)
    %dma_wait3A_314 = arith.constant 0 : i32
    %dma_wait3A_315 = arith.constant 0 : i32
    %dma_wait3A_316 = arith.constant 0 : i32
    %dma_wait3A_317 = arith.constant 0 : i32
    %dma_wait3A_318 = tpu.memref_slice %arg8[%dma_wait3A_315, %dma_wait3A_316, %dma_wait3A_317] : memref<2x200x64xf32, #tpu.memory_space<vmem>> -> memref<1x128x64xf32, #tpu.memory_space<vmem>>
    %dma_wait3A_319 = tpu.memref_squeeze %dma_wait3A_318 : memref<1x128x64xf32, #tpu.memory_space<vmem>> -> memref<128x64xf32, #tpu.memory_space<vmem>>
    %dma_wait3A_320 = arith.constant 0 : i32
    %dma_wait3A_321 = tpu.memref_slice %arg6[%dma_wait3A_314, %dma_wait3A_320] : memref<2x200xi32, #tpu.memory_space<vmem>> -> memref<1x128xi32, #tpu.memory_space<vmem>>
    %dma_wait3A_322 = tpu.memref_squeeze %dma_wait3A_321 : memref<1x128xi32, #tpu.memory_space<vmem>> -> memref<128xi32, #tpu.memory_space<vmem>>
    %dma_wait3A_323 = arith.constant 0 : i32
    %dma_wait3A_324 = arith.constant 0 : i32
    %dma_wait3A_325 = tpu.memref_slice %arg5[%dma_wait3A_323, %dma_wait3A_324] : memref<1000x64xf32, #tpu.memory_space<vmem_shared>> -> memref<1000x64xf32, #tpu.memory_space<vmem_shared>>
    tpu.wait_indirect_dma semaphore(%arg12 : memref<!tpu.dma_semaphore, #tpu.memory_space<semaphore_mem>>) src(%dma_wait3A_325 : memref<1000x64xf32, #tpu.memory_space<vmem_shared>>) dst(%dma_wait3A_319 : memref<128x64xf32, #tpu.memory_space<vmem>>)
    %dma_wait3A_326 = arith.constant 0 : i32
    %dma_wait3A_327 = arith.constant 0 : i32
    %dma_wait3A_328 = arith.constant 128 : i32
    %dma_wait3A_329 = arith.constant 0 : i32
    %dma_wait3A_330 = tpu.memref_slice %arg8[%dma_wait3A_327, %dma_wait3A_328, %dma_wait3A_329] : memref<2x200x64xf32, #tpu.memory_space<vmem>> -> memref<1x72x64xf32, #tpu.memory_space<vmem>>
    %dma_wait3A_331 = tpu.memref_squeeze %dma_wait3A_330 : memref<1x72x64xf32, #tpu.memory_space<vmem>> -> memref<72x64xf32, #tpu.memory_space<vmem>>
    %dma_wait3A_332 = arith.constant 128 : i32
    %dma_wait3A_333 = tpu.memref_slice %arg6[%dma_wait3A_326, %dma_wait3A_332] : memref<2x200xi32, #tpu.memory_space<vmem>> -> memref<1x72xi32, #tpu.memory_space<vmem>>
    %dma_wait3A_334 = tpu.memref_squeeze %dma_wait3A_333 : memref<1x72xi32, #tpu.memory_space<vmem>> -> memref<72xi32, #tpu.memory_space<vmem>>
    %dma_wait3A_335 = arith.constant 0 : i32
    %dma_wait3A_336 = arith.constant 0 : i32
    %dma_wait3A_337 = tpu.memref_slice %arg5[%dma_wait3A_335, %dma_wait3A_336] : memref<1000x64xf32, #tpu.memory_space<vmem_shared>> -> memref<1000x64xf32, #tpu.memory_space<vmem_shared>>
    tpu.wait_indirect_dma semaphore(%arg12 : memref<!tpu.dma_semaphore, #tpu.memory_space<semaphore_mem>>) src(%dma_wait3A_337 : memref<1000x64xf32, #tpu.memory_space<vmem_shared>>) dst(%dma_wait3A_331 : memref<72x64xf32, #tpu.memory_space<vmem>>)
    %dma_wait3A_338 = arith.constant 1 : i32
    %dma_wait3A_339 = arith.constant 1 : i32
    %dma_wait3A_340 = arith.constant 0 : i32
    %dma_wait3A_341 = arith.constant 0 : i32
    %dma_wait3A_342 = tpu.memref_slice %arg8[%dma_wait3A_339, %dma_wait3A_340, %dma_wait3A_341] : memref<2x200x64xf32, #tpu.memory_space<vmem>> -> memref<1x128x64xf32, #tpu.memory_space<vmem>>
    %dma_wait3A_343 = tpu.memref_squeeze %dma_wait3A_342 : memref<1x128x64xf32, #tpu.memory_space<vmem>> -> memref<128x64xf32, #tpu.memory_space<vmem>>
    %dma_wait3A_344 = arith.constant 0 : i32
    %dma_wait3A_345 = tpu.memref_slice %arg6[%dma_wait3A_338, %dma_wait3A_344] : memref<2x200xi32, #tpu.memory_space<vmem>> -> memref<1x128xi32, #tpu.memory_space<vmem>>
    %dma_wait3A_346 = tpu.memref_squeeze %dma_wait3A_345 : memref<1x128xi32, #tpu.memory_space<vmem>> -> memref<128xi32, #tpu.memory_space<vmem>>
    %dma_wait3A_347 = arith.constant 0 : i32
    %dma_wait3A_348 = arith.constant 0 : i32
    %dma_wait3A_349 = tpu.memref_slice %arg5[%dma_wait3A_347, %dma_wait3A_348] : memref<1000x64xf32, #tpu.memory_space<vmem_shared>> -> memref<1000x64xf32, #tpu.memory_space<vmem_shared>>
    tpu.wait_indirect_dma semaphore(%arg12 : memref<!tpu.dma_semaphore, #tpu.memory_space<semaphore_mem>>) src(%dma_wait3A_349 : memref<1000x64xf32, #tpu.memory_space<vmem_shared>>) dst(%dma_wait3A_343 : memref<128x64xf32, #tpu.memory_space<vmem>>)
    %dma_wait3A_350 = arith.constant 1 : i32
    %dma_wait3A_351 = arith.constant 1 : i32
    %dma_wait3A_352 = arith.constant 128 : i32
    %dma_wait3A_353 = arith.constant 0 : i32
    %dma_wait3A_354 = tpu.memref_slice %arg8[%dma_wait3A_351, %dma_wait3A_352, %dma_wait3A_353] : memref<2x200x64xf32, #tpu.memory_space<vmem>> -> memref<1x72x64xf32, #tpu.memory_space<vmem>>
    %dma_wait3A_355 = tpu.memref_squeeze %dma_wait3A_354 : memref<1x72x64xf32, #tpu.memory_space<vmem>> -> memref<72x64xf32, #tpu.memory_space<vmem>>
    %dma_wait3A_356 = arith.constant 128 : i32
    %dma_wait3A_357 = tpu.memref_slice %arg6[%dma_wait3A_350, %dma_wait3A_356] : memref<2x200xi32, #tpu.memory_space<vmem>> -> memref<1x72xi32, #tpu.memory_space<vmem>>
    %dma_wait3A_358 = tpu.memref_squeeze %dma_wait3A_357 : memref<1x72xi32, #tpu.memory_space<vmem>> -> memref<72xi32, #tpu.memory_space<vmem>>
    %dma_wait3A_359 = arith.constant 0 : i32
    %dma_wait3A_360 = arith.constant 0 : i32
    %dma_wait3A_361 = tpu.memref_slice %arg5[%dma_wait3A_359, %dma_wait3A_360] : memref<1000x64xf32, #tpu.memory_space<vmem_shared>> -> memref<1000x64xf32, #tpu.memory_space<vmem_shared>>
    tpu.wait_indirect_dma semaphore(%arg12 : memref<!tpu.dma_semaphore, #tpu.memory_space<semaphore_mem>>) src(%dma_wait3A_361 : memref<1000x64xf32, #tpu.memory_space<vmem_shared>>) dst(%dma_wait3A_355 : memref<72x64xf32, #tpu.memory_space<vmem>>)
    %add3A_362 = arith.constant 124 : i32
    %add3A_363 = arith.addi %mul3A_2, %add3A_362 : i32
    %dma_start3A_364 = arith.constant 0 : i32
    %dma_start3A_365 = arith.constant 0 : i32
    %dma_start3A_366 = tpu.memref_slice %arg4[%add3A_363, %dma_start3A_364, %dma_start3A_365] : memref<4096x200x64xf32, #tpu.memory_space<hbm>> -> memref<2x200x64xf32, #tpu.memory_space<hbm>>
    %dma_start3A_367 = arith.constant 0 : i32
    %dma_start3A_368 = arith.constant 0 : i32
    %dma_start3A_369 = tpu.memref_slice %arg4[%add3A_363, %dma_start3A_367, %dma_start3A_368] : memref<4096x200x64xf32, #tpu.memory_space<hbm>> -> memref<2x200x64xf32, #tpu.memory_space<hbm>>
    tpu.enqueue_dma source(%arg8 : memref<2x200x64xf32, #tpu.memory_space<vmem>>) target(%dma_start3A_369 : memref<2x200x64xf32, #tpu.memory_space<hbm>>) target_semaphore(%arg14 : memref<!tpu.dma_semaphore, #tpu.memory_space<semaphore_mem>>)
    %dma_wait3A_370 = arith.constant 0 : i32
    %dma_wait3A_371 = arith.constant 0 : i32
    %dma_wait3A_372 = tpu.memref_slice %arg2[%dma_wait3A_370, %dma_wait3A_371] : memref<4096x200xi32, #tpu.memory_space<hbm>> -> memref<2x200xi32, #tpu.memory_space<hbm>>
    %dma_wait3A_373 = arith.constant 0 : i32
    %dma_wait3A_374 = arith.constant 0 : i32
    %dma_wait3A_375 = tpu.memref_slice %arg2[%dma_wait3A_373, %dma_wait3A_374] : memref<4096x200xi32, #tpu.memory_space<hbm>> -> memref<2x200xi32, #tpu.memory_space<hbm>>
    tpu.wait_dma2 semaphore(%arg11 : memref<!tpu.dma_semaphore, #tpu.memory_space<semaphore_mem>>) src(%dma_wait3A_375 : memref<2x200xi32, #tpu.memory_space<hbm>>) dst(%arg7 : memref<2x200xi32, #tpu.memory_space<vmem>>)
    %dma_wait3A_376 = arith.constant 0 : i32
    %dma_wait3A_377 = arith.constant 0 : i32
    %dma_wait3A_378 = arith.constant 0 : i32
    %dma_wait3A_379 = tpu.memref_slice %arg4[%dma_wait3A_376, %dma_wait3A_377, %dma_wait3A_378] : memref<4096x200x64xf32, #tpu.memory_space<hbm>> -> memref<2x200x64xf32, #tpu.memory_space<hbm>>
    %dma_wait3A_380 = arith.constant 0 : i32
    %dma_wait3A_381 = arith.constant 0 : i32
    %dma_wait3A_382 = arith.constant 0 : i32
    %dma_wait3A_383 = tpu.memref_slice %arg4[%dma_wait3A_380, %dma_wait3A_381, %dma_wait3A_382] : memref<4096x200x64xf32, #tpu.memory_space<hbm>> -> memref<2x200x64xf32, #tpu.memory_space<hbm>>
    tpu.wait_dma2 semaphore(%arg15 : memref<!tpu.dma_semaphore, #tpu.memory_space<semaphore_mem>>) src(%arg9 : memref<2x200x64xf32, #tpu.memory_space<vmem>>) dst(%dma_wait3A_383 : memref<2x200x64xf32, #tpu.memory_space<hbm>>)
    %dma_start3A_384 = arith.constant 0 : i32
    %dma_start3A_385 = arith.constant 0 : i32
    %dma_start3A_386 = arith.constant 0 : i32
    %dma_start3A_387 = arith.constant 0 : i32
    %dma_start3A_388 = tpu.memref_slice %arg9[%dma_start3A_385, %dma_start3A_386, %dma_start3A_387] : memref<2x200x64xf32, #tpu.memory_space<vmem>> -> memref<1x128x64xf32, #tpu.memory_space<vmem>>
    %dma_start3A_389 = tpu.memref_squeeze %dma_start3A_388 : memref<1x128x64xf32, #tpu.memory_space<vmem>> -> memref<128x64xf32, #tpu.memory_space<vmem>>
    %dma_start3A_390 = arith.constant 0 : i32
    %dma_start3A_391 = tpu.memref_slice %arg7[%dma_start3A_384, %dma_start3A_390] : memref<2x200xi32, #tpu.memory_space<vmem>> -> memref<1x128xi32, #tpu.memory_space<vmem>>
    %dma_start3A_392 = tpu.memref_squeeze %dma_start3A_391 : memref<1x128xi32, #tpu.memory_space<vmem>> -> memref<128xi32, #tpu.memory_space<vmem>>
    %dma_start3A_393 = arith.constant 0 : i32
    %dma_start3A_394 = arith.constant 0 : i32
    %dma_start3A_395 = tpu.memref_slice %arg5[%dma_start3A_393, %dma_start3A_394] : memref<1000x64xf32, #tpu.memory_space<vmem_shared>> -> memref<1000x64xf32, #tpu.memory_space<vmem_shared>>
    tpu.enqueue_indirect_dma source(%dma_start3A_395 : memref<1000x64xf32, #tpu.memory_space<vmem_shared>>) target(%dma_start3A_389 : memref<128x64xf32, #tpu.memory_space<vmem>>) offsets(%dma_start3A_392 : memref<128xi32, #tpu.memory_space<vmem>>) semaphore(%arg13 : memref<!tpu.dma_semaphore, #tpu.memory_space<semaphore_mem>>)
    %dma_start3A_396 = arith.constant 0 : i32
    %dma_start3A_397 = arith.constant 0 : i32
    %dma_start3A_398 = arith.constant 128 : i32
    %dma_start3A_399 = arith.constant 0 : i32
    %dma_start3A_400 = tpu.memref_slice %arg9[%dma_start3A_397, %dma_start3A_398, %dma_start3A_399] : memref<2x200x64xf32, #tpu.memory_space<vmem>> -> memref<1x72x64xf32, #tpu.memory_space<vmem>>
    %dma_start3A_401 = tpu.memref_squeeze %dma_start3A_400 : memref<1x72x64xf32, #tpu.memory_space<vmem>> -> memref<72x64xf32, #tpu.memory_space<vmem>>
    %dma_start3A_402 = arith.constant 128 : i32
    %dma_start3A_403 = tpu.memref_slice %arg7[%dma_start3A_396, %dma_start3A_402] : memref<2x200xi32, #tpu.memory_space<vmem>> -> memref<1x72xi32, #tpu.memory_space<vmem>>
    %dma_start3A_404 = tpu.memref_squeeze %dma_start3A_403 : memref<1x72xi32, #tpu.memory_space<vmem>> -> memref<72xi32, #tpu.memory_space<vmem>>
    %dma_start3A_405 = arith.constant 0 : i32
    %dma_start3A_406 = arith.constant 0 : i32
    %dma_start3A_407 = tpu.memref_slice %arg5[%dma_start3A_405, %dma_start3A_406] : memref<1000x64xf32, #tpu.memory_space<vmem_shared>> -> memref<1000x64xf32, #tpu.memory_space<vmem_shared>>
    tpu.enqueue_indirect_dma source(%dma_start3A_407 : memref<1000x64xf32, #tpu.memory_space<vmem_shared>>) target(%dma_start3A_401 : memref<72x64xf32, #tpu.memory_space<vmem>>) offsets(%dma_start3A_404 : memref<72xi32, #tpu.memory_space<vmem>>) semaphore(%arg13 : memref<!tpu.dma_semaphore, #tpu.memory_space<semaphore_mem>>)
    %dma_start3A_408 = arith.constant 1 : i32
    %dma_start3A_409 = arith.constant 1 : i32
    %dma_start3A_410 = arith.constant 0 : i32
    %dma_start3A_411 = arith.constant 0 : i32
    %dma_start3A_412 = tpu.memref_slice %arg9[%dma_start3A_409, %dma_start3A_410, %dma_start3A_411] : memref<2x200x64xf32, #tpu.memory_space<vmem>> -> memref<1x128x64xf32, #tpu.memory_space<vmem>>
    %dma_start3A_413 = tpu.memref_squeeze %dma_start3A_412 : memref<1x128x64xf32, #tpu.memory_space<vmem>> -> memref<128x64xf32, #tpu.memory_space<vmem>>
    %dma_start3A_414 = arith.constant 0 : i32
    %dma_start3A_415 = tpu.memref_slice %arg7[%dma_start3A_408, %dma_start3A_414] : memref<2x200xi32, #tpu.memory_space<vmem>> -> memref<1x128xi32, #tpu.memory_space<vmem>>
    %dma_start3A_416 = tpu.memref_squeeze %dma_start3A_415 : memref<1x128xi32, #tpu.memory_space<vmem>> -> memref<128xi32, #tpu.memory_space<vmem>>
    %dma_start3A_417 = arith.constant 0 : i32
    %dma_start3A_418 = arith.constant 0 : i32
    %dma_start3A_419 = tpu.memref_slice %arg5[%dma_start3A_417, %dma_start3A_418] : memref<1000x64xf32, #tpu.memory_space<vmem_shared>> -> memref<1000x64xf32, #tpu.memory_space<vmem_shared>>
    tpu.enqueue_indirect_dma source(%dma_start3A_419 : memref<1000x64xf32, #tpu.memory_space<vmem_shared>>) target(%dma_start3A_413 : memref<128x64xf32, #tpu.memory_space<vmem>>) offsets(%dma_start3A_416 : memref<128xi32, #tpu.memory_space<vmem>>) semaphore(%arg13 : memref<!tpu.dma_semaphore, #tpu.memory_space<semaphore_mem>>)
    %dma_start3A_420 = arith.constant 1 : i32
    %dma_start3A_421 = arith.constant 1 : i32
    %dma_start3A_422 = arith.constant 128 : i32
    %dma_start3A_423 = arith.constant 0 : i32
    %dma_start3A_424 = tpu.memref_slice %arg9[%dma_start3A_421, %dma_start3A_422, %dma_start3A_423] : memref<2x200x64xf32, #tpu.memory_space<vmem>> -> memref<1x72x64xf32, #tpu.memory_space<vmem>>
    %dma_start3A_425 = tpu.memref_squeeze %dma_start3A_424 : memref<1x72x64xf32, #tpu.memory_space<vmem>> -> memref<72x64xf32, #tpu.memory_space<vmem>>
    %dma_start3A_426 = arith.constant 128 : i32
    %dma_start3A_427 = tpu.memref_slice %arg7[%dma_start3A_420, %dma_start3A_426] : memref<2x200xi32, #tpu.memory_space<vmem>> -> memref<1x72xi32, #tpu.memory_space<vmem>>
    %dma_start3A_428 = tpu.memref_squeeze %dma_start3A_427 : memref<1x72xi32, #tpu.memory_space<vmem>> -> memref<72xi32, #tpu.memory_space<vmem>>
    %dma_start3A_429 = arith.constant 0 : i32
    %dma_start3A_430 = arith.constant 0 : i32
    %dma_start3A_431 = tpu.memref_slice %arg5[%dma_start3A_429, %dma_start3A_430] : memref<1000x64xf32, #tpu.memory_space<vmem_shared>> -> memref<1000x64xf32, #tpu.memory_space<vmem_shared>>
    tpu.enqueue_indirect_dma source(%dma_start3A_431 : memref<1000x64xf32, #tpu.memory_space<vmem_shared>>) target(%dma_start3A_425 : memref<72x64xf32, #tpu.memory_space<vmem>>) offsets(%dma_start3A_428 : memref<72xi32, #tpu.memory_space<vmem>>) semaphore(%arg13 : memref<!tpu.dma_semaphore, #tpu.memory_space<semaphore_mem>>)
    %dma_wait3A_432 = arith.constant 0 : i32
    %dma_wait3A_433 = arith.constant 0 : i32
    %dma_wait3A_434 = arith.constant 0 : i32
    %dma_wait3A_435 = arith.constant 0 : i32
    %dma_wait3A_436 = tpu.memref_slice %arg9[%dma_wait3A_433, %dma_wait3A_434, %dma_wait3A_435] : memref<2x200x64xf32, #tpu.memory_space<vmem>> -> memref<1x128x64xf32, #tpu.memory_space<vmem>>
    %dma_wait3A_437 = tpu.memref_squeeze %dma_wait3A_436 : memref<1x128x64xf32, #tpu.memory_space<vmem>> -> memref<128x64xf32, #tpu.memory_space<vmem>>
    %dma_wait3A_438 = arith.constant 0 : i32
    %dma_wait3A_439 = tpu.memref_slice %arg7[%dma_wait3A_432, %dma_wait3A_438] : memref<2x200xi32, #tpu.memory_space<vmem>> -> memref<1x128xi32, #tpu.memory_space<vmem>>
    %dma_wait3A_440 = tpu.memref_squeeze %dma_wait3A_439 : memref<1x128xi32, #tpu.memory_space<vmem>> -> memref<128xi32, #tpu.memory_space<vmem>>
    %dma_wait3A_441 = arith.constant 0 : i32
    %dma_wait3A_442 = arith.constant 0 : i32
    %dma_wait3A_443 = tpu.memref_slice %arg5[%dma_wait3A_441, %dma_wait3A_442] : memref<1000x64xf32, #tpu.memory_space<vmem_shared>> -> memref<1000x64xf32, #tpu.memory_space<vmem_shared>>
    tpu.wait_indirect_dma semaphore(%arg13 : memref<!tpu.dma_semaphore, #tpu.memory_space<semaphore_mem>>) src(%dma_wait3A_443 : memref<1000x64xf32, #tpu.memory_space<vmem_shared>>) dst(%dma_wait3A_437 : memref<128x64xf32, #tpu.memory_space<vmem>>)
    %dma_wait3A_444 = arith.constant 0 : i32
    %dma_wait3A_445 = arith.constant 0 : i32
    %dma_wait3A_446 = arith.constant 128 : i32
    %dma_wait3A_447 = arith.constant 0 : i32
    %dma_wait3A_448 = tpu.memref_slice %arg9[%dma_wait3A_445, %dma_wait3A_446, %dma_wait3A_447] : memref<2x200x64xf32, #tpu.memory_space<vmem>> -> memref<1x72x64xf32, #tpu.memory_space<vmem>>
    %dma_wait3A_449 = tpu.memref_squeeze %dma_wait3A_448 : memref<1x72x64xf32, #tpu.memory_space<vmem>> -> memref<72x64xf32, #tpu.memory_space<vmem>>
    %dma_wait3A_450 = arith.constant 128 : i32
    %dma_wait3A_451 = tpu.memref_slice %arg7[%dma_wait3A_444, %dma_wait3A_450] : memref<2x200xi32, #tpu.memory_space<vmem>> -> memref<1x72xi32, #tpu.memory_space<vmem>>
    %dma_wait3A_452 = tpu.memref_squeeze %dma_wait3A_451 : memref<1x72xi32, #tpu.memory_space<vmem>> -> memref<72xi32, #tpu.memory_space<vmem>>
    %dma_wait3A_453 = arith.constant 0 : i32
    %dma_wait3A_454 = arith.constant 0 : i32
    %dma_wait3A_455 = tpu.memref_slice %arg5[%dma_wait3A_453, %dma_wait3A_454] : memref<1000x64xf32, #tpu.memory_space<vmem_shared>> -> memref<1000x64xf32, #tpu.memory_space<vmem_shared>>
    tpu.wait_indirect_dma semaphore(%arg13 : memref<!tpu.dma_semaphore, #tpu.memory_space<semaphore_mem>>) src(%dma_wait3A_455 : memref<1000x64xf32, #tpu.memory_space<vmem_shared>>) dst(%dma_wait3A_449 : memref<72x64xf32, #tpu.memory_space<vmem>>)
    %dma_wait3A_456 = arith.constant 1 : i32
    %dma_wait3A_457 = arith.constant 1 : i32
    %dma_wait3A_458 = arith.constant 0 : i32
    %dma_wait3A_459 = arith.constant 0 : i32
    %dma_wait3A_460 = tpu.memref_slice %arg9[%dma_wait3A_457, %dma_wait3A_458, %dma_wait3A_459] : memref<2x200x64xf32, #tpu.memory_space<vmem>> -> memref<1x128x64xf32, #tpu.memory_space<vmem>>
    %dma_wait3A_461 = tpu.memref_squeeze %dma_wait3A_460 : memref<1x128x64xf32, #tpu.memory_space<vmem>> -> memref<128x64xf32, #tpu.memory_space<vmem>>
    %dma_wait3A_462 = arith.constant 0 : i32
    %dma_wait3A_463 = tpu.memref_slice %arg7[%dma_wait3A_456, %dma_wait3A_462] : memref<2x200xi32, #tpu.memory_space<vmem>> -> memref<1x128xi32, #tpu.memory_space<vmem>>
    %dma_wait3A_464 = tpu.memref_squeeze %dma_wait3A_463 : memref<1x128xi32, #tpu.memory_space<vmem>> -> memref<128xi32, #tpu.memory_space<vmem>>
    %dma_wait3A_465 = arith.constant 0 : i32
    %dma_wait3A_466 = arith.constant 0 : i32
    %dma_wait3A_467 = tpu.memref_slice %arg5[%dma_wait3A_465, %dma_wait3A_466] : memref<1000x64xf32, #tpu.memory_space<vmem_shared>> -> memref<1000x64xf32, #tpu.memory_space<vmem_shared>>
    tpu.wait_indirect_dma semaphore(%arg13 : memref<!tpu.dma_semaphore, #tpu.memory_space<semaphore_mem>>) src(%dma_wait3A_467 : memref<1000x64xf32, #tpu.memory_space<vmem_shared>>) dst(%dma_wait3A_461 : memref<128x64xf32, #tpu.memory_space<vmem>>)
    %dma_wait3A_468 = arith.constant 1 : i32
    %dma_wait3A_469 = arith.constant 1 : i32
    %dma_wait3A_470 = arith.constant 128 : i32
    %dma_wait3A_471 = arith.constant 0 : i32
    %dma_wait3A_472 = tpu.memref_slice %arg9[%dma_wait3A_469, %dma_wait3A_470, %dma_wait3A_471] : memref<2x200x64xf32, #tpu.memory_space<vmem>> -> memref<1x72x64xf32, #tpu.memory_space<vmem>>
    %dma_wait3A_473 = tpu.memref_squeeze %dma_wait3A_472 : memref<1x72x64xf32, #tpu.memory_space<vmem>> -> memref<72x64xf32, #tpu.memory_space<vmem>>
    %dma_wait3A_474 = arith.constant 128 : i32
    %dma_wait3A_475 = tpu.memref_slice %arg7[%dma_wait3A_468, %dma_wait3A_474] : memref<2x200xi32, #tpu.memory_space<vmem>> -> memref<1x72xi32, #tpu.memory_space<vmem>>
    %dma_wait3A_476 = tpu.memref_squeeze %dma_wait3A_475 : memref<1x72xi32, #tpu.memory_space<vmem>> -> memref<72xi32, #tpu.memory_space<vmem>>
    %dma_wait3A_477 = arith.constant 0 : i32
    %dma_wait3A_478 = arith.constant 0 : i32
    %dma_wait3A_479 = tpu.memref_slice %arg5[%dma_wait3A_477, %dma_wait3A_478] : memref<1000x64xf32, #tpu.memory_space<vmem_shared>> -> memref<1000x64xf32, #tpu.memory_space<vmem_shared>>
    tpu.wait_indirect_dma semaphore(%arg13 : memref<!tpu.dma_semaphore, #tpu.memory_space<semaphore_mem>>) src(%dma_wait3A_479 : memref<1000x64xf32, #tpu.memory_space<vmem_shared>>) dst(%dma_wait3A_473 : memref<72x64xf32, #tpu.memory_space<vmem>>)
    %add3A_480 = arith.constant 126 : i32
    %add3A_481 = arith.addi %mul3A_2, %add3A_480 : i32
    %dma_start3A_482 = arith.constant 0 : i32
    %dma_start3A_483 = arith.constant 0 : i32
    %dma_start3A_484 = tpu.memref_slice %arg4[%add3A_481, %dma_start3A_482, %dma_start3A_483] : memref<4096x200x64xf32, #tpu.memory_space<hbm>> -> memref<2x200x64xf32, #tpu.memory_space<hbm>>
    %dma_start3A_485 = arith.constant 0 : i32
    %dma_start3A_486 = arith.constant 0 : i32
    %dma_start3A_487 = tpu.memref_slice %arg4[%add3A_481, %dma_start3A_485, %dma_start3A_486] : memref<4096x200x64xf32, #tpu.memory_space<hbm>> -> memref<2x200x64xf32, #tpu.memory_space<hbm>>
    tpu.enqueue_dma source(%arg9 : memref<2x200x64xf32, #tpu.memory_space<vmem>>) target(%dma_start3A_487 : memref<2x200x64xf32, #tpu.memory_space<hbm>>) target_semaphore(%arg15 : memref<!tpu.dma_semaphore, #tpu.memory_space<semaphore_mem>>)
    %dma_wait3A_488 = arith.constant 0 : i32
    %dma_wait3A_489 = arith.constant 0 : i32
    %dma_wait3A_490 = arith.constant 0 : i32
    %dma_wait3A_491 = tpu.memref_slice %arg4[%dma_wait3A_488, %dma_wait3A_489, %dma_wait3A_490] : memref<4096x200x64xf32, #tpu.memory_space<hbm>> -> memref<2x200x64xf32, #tpu.memory_space<hbm>>
    %dma_wait3A_492 = arith.constant 0 : i32
    %dma_wait3A_493 = arith.constant 0 : i32
    %dma_wait3A_494 = arith.constant 0 : i32
    %dma_wait3A_495 = tpu.memref_slice %arg4[%dma_wait3A_492, %dma_wait3A_493, %dma_wait3A_494] : memref<4096x200x64xf32, #tpu.memory_space<hbm>> -> memref<2x200x64xf32, #tpu.memory_space<hbm>>
    tpu.wait_dma2 semaphore(%arg14 : memref<!tpu.dma_semaphore, #tpu.memory_space<semaphore_mem>>) src(%arg8 : memref<2x200x64xf32, #tpu.memory_space<vmem>>) dst(%dma_wait3A_495 : memref<2x200x64xf32, #tpu.memory_space<hbm>>)
    %dma_wait3A_496 = arith.constant 0 : i32
    %dma_wait3A_497 = arith.constant 0 : i32
    %dma_wait3A_498 = arith.constant 0 : i32
    %dma_wait3A_499 = tpu.memref_slice %arg4[%dma_wait3A_496, %dma_wait3A_497, %dma_wait3A_498] : memref<4096x200x64xf32, #tpu.memory_space<hbm>> -> memref<2x200x64xf32, #tpu.memory_space<hbm>>
    %dma_wait3A_500 = arith.constant 0 : i32
    %dma_wait3A_501 = arith.constant 0 : i32
    %dma_wait3A_502 = arith.constant 0 : i32
    %dma_wait3A_503 = tpu.memref_slice %arg4[%dma_wait3A_500, %dma_wait3A_501, %dma_wait3A_502] : memref<4096x200x64xf32, #tpu.memory_space<hbm>> -> memref<2x200x64xf32, #tpu.memory_space<hbm>>
    tpu.wait_dma2 semaphore(%arg15 : memref<!tpu.dma_semaphore, #tpu.memory_space<semaphore_mem>>) src(%arg9 : memref<2x200x64xf32, #tpu.memory_space<vmem>>) dst(%dma_wait3A_503 : memref<2x200x64xf32, #tpu.memory_space<hbm>>)
    return
  }
}

</mosaic_0001>

<sc_bundles>
// kernel: _gather.3.cloned.1.call-start
scs
__scs_entry_jumppad:
0x0: {  	(pc) =	sbr.rel $0x88, $3  }
0x1: {  	(tag) =	ssettag $0x0;
	lr =	simm.s32 $0x1  }
0x2: {  	[smem:$0x3F9F] =	sst lr;
	_ =	strace $0xD0000000  }
0x3: {  	_ = 	snop  }
0x4: {  	_ = 	snop  }
0x5: {  	_ = 	snop  }
0x6: {  	_ = 	snop  }
0x7: {  	_ = 	snop  }
__scs_overlays_trampoline_lowered:
0x8: {  	[smem:$0x3FAE] =	sst s0  }
0x9: {  	[smem:$0x3FAF] =	sst s1  }
0xa: {  	[smem:$0x3FB0] =	sst s2  }
0xb: {  	[smem:$0x3FB1] =	sst s3  }
0xc: {  	[smem:$0x3FB2] =	sst s4  }
0xd: {  	[smem:$0x3FB3] =	sst s5  }
0xe: {  	[smem:$0x3FB4] =	sst s6  }
0xf: {  	[smem:$0x3FB5] =	sst s7  }
0x10: {  	[smem:$0x3FB6] =	sst s8  }
0x11: {  	[smem:$0x3FB7] =	sst s9;
	s0 =	simm.s32 @!p0 $0x0  }
0x12: {  	s1 =	sld [smem:$0x3F9D];
	s0 =	simm.s32 @p0 $0x1  }
0x13: {  	[smem:$0x3FB8] =	sst s0;
	s0 =	simm.s32 @!p1 $0x0  }
0x14: {  	s2 =	sld [smem:$0x3F9C];
	s0 =	simm.s32 @p1 $0x1  }
0x15: {  	[smem:$0x3FB9] =	sst s0;
	s0 =	simm.s32 @!p2 $0x0  }
0x16: {  	s3 =	sld [smem:$0x3FDB];
	s0 =	simm.s32 @p2 $0x1  }
0x17: {  	s4 =	simm.s32 $0x1BF5;
	[smem:$0x3FBB] =	sst s0  }
0x18: {  	s0 =	sld [smem:$0x3F9E];
	_ =	swait.ge [sflag:s4], $0x0  }
0x19: {  	s7 =	sld [smem:$0x3F9F]  }
0x1a: {  	s8 =	sadd.s32 $0xFFFFE003, lr  }
0x1b: {  	s9 =	sadd.s32 $0xFFFFFEF7, lr;
	s5 =	simm.s32 $0xFFFFFFFF;
	p2 =	slt.u32 s8, $0xFFFFF086  }
0x1c: {  	p1 =	slt.u32 s9, $0xF7A;
	s5 =	simm.s32 @!p2 $0x0  }
0x1d: {  	s5 =	simm.s32 @p1 $0x1;
	p0 =	seq.s32 s7, s2  }
0x1e: {  	s7 =	smul.u32 @!p0 $0xF7A, s2;
	p2 =	seq.s32 @!p0 s5, $0x0  }
0x1f: {  	s9 =	smul.u32 $0xF7A, s1;
	s8 =	simm.s32 @!p0 $0x1BF5;
	p2 =	por !p2, p0  }
0x20: {  	[sflag:s8] =	ssyncset.s32 @!p0 $0xFFFFF086;
	s6 =	sadd.s32 @!p0 s3, s7;
	s7 =	simm.s32 @!p0 $0x108  }
0x21: {  	s3 =	sadd.s32 s3, s9;
	s6 =	sadd.s32 @!p0 $0x88, s6;
	s7 =	simm.s32 @p2 $0x1082  }
0x22: {  	[simem:s7], [sflag:s8] =	dma.local @!p0 [hbm:s6], $0xF7A  }
0x23: {  	s9 =	sor.u32 $0xD0000000, s2;
	s6 =	simm.s32 $0x108;
	_ =	swait.ge @!p0 [sflag:s8], $0x0  }
0x24: {  	s3 =	sadd.s32 $0x88, s3;
	s6 =	simm.s32 @!p1 $0x1082;
	[sflag:s4] =	ssyncset.s32 $0xFFFFF086  }
0x25: {  	[simem:s6], [sflag:s4] =	dma.local [hbm:s3], $0xF7A  }
0x26: {  	[smem:$0x3F9F] =	sst s1;
	(tag) =	ssettag s2;
	_ =	strace s9  }
0x27: {  	s1 =	sld [smem:$0x3FAF]  }
0x28: {  	s2 =	sld [smem:$0x3FB0]  }
0x29: {  	s4 =	sld [smem:$0x3FB2]  }
0x2a: {  	p0 =	seq.s32 s5, $0x0;
	s5 =	sld [smem:$0x3FB3]  }
0x2b: {  	s6 =	sld [smem:$0x3FB4]  }
0x2c: {  	s7 =	sld [smem:$0x3FB5]  }
0x2d: {  	s3 =	simm.s32 $0x108;
	s8 =	sld [smem:$0x3FB6]  }
0x2e: {  	s3 =	simm.s32 @!p0 $0x1082;
	s9 =	sld [smem:$0x3FB7]  }
0x2f: {  	lr =	sadd.s32 s0, s3;
	s0 =	sld [smem:$0x3FAE]  }
0x30: {  	s3 =	sld [smem:$0x3FB1]  }
0x31: {  	[smem:$0x3FBA] =	sst s10  }
0x32: {  	s10 =	sld [smem:$0x3FB8];
	_ =	sdelay $0x3  }
0x33: {  	p0 =	seq.s32 s10, $0x1;
	s10 =	sld [smem:$0x3FBA];
	_ =	sdelay $0x3  }
0x34: {  	[smem:$0x3FBA] =	sst s10  }
0x35: {  	s10 =	sld [smem:$0x3FB9];
	_ =	sdelay $0x3  }
0x36: {  	p1 =	seq.s32 s10, $0x1;
	s10 =	sld [smem:$0x3FBA];
	_ =	sdelay $0x3  }
0x37: {  	[smem:$0x3FBA] =	sst s10  }
0x38: {  	s10 =	sld [smem:$0x3FBB]  }
0x39: {  	_ = 	snop;
	(pc) =	sbr.ind lr, $3  }
0x3a: {  	_ = 	snop  }
0x3b: {  	_ = 	snop  }
0x3c: {  	p2 =	seq.s32 s10, $0x1;
	s10 =	sld [smem:$0x3FBA]  }
0x3d: {  	_ =	shalt  }
0x3e: {  	_ =	shalt  }
0x3f: {  	_ =	shalt  }
0x40: {  	_ =	shalt  }
0x41: {  	_ =	shalt  }
0x42: {  	_ =	shalt  }
0x43: {  	_ =	shalt  }
0x44: {  	_ =	shalt  }
0x45: {  	_ =	shalt  }
0x46: {  	_ =	shalt  }
0x47: {  	_ =	shalt  }
0x48: {  	_ =	shalt  }
0x49: {  	_ =	shalt  }
0x4a: {  	_ =	shalt  }
0x4b: {  	_ =	shalt  }
0x4c: {  	_ =	shalt  }
0x4d: {  	_ =	shalt  }
0x4e: {  	_ =	shalt  }
0x4f: {  	_ =	shalt  }
0x50: {  	_ =	shalt  }
0x51: {  	_ =	shalt  }
0x52: {  	_ =	shalt  }
0x53: {  	_ =	shalt  }
0x54: {  	_ =	shalt  }
0x55: {  	_ =	shalt  }
0x56: {  	_ =	shalt  }
0x57: {  	_ =	shalt  }
0x58: {  	_ =	shalt  }
0x59: {  	_ =	shalt  }
0x5a: {  	_ =	shalt  }
0x5b: {  	_ =	shalt  }
0x5c: {  	_ =	shalt  }
0x5d: {  	_ =	shalt  }
0x5e: {  	_ =	shalt  }
0x5f: {  	_ =	shalt  }
0x60: {  	_ =	shalt  }
0x61: {  	_ =	shalt  }
0x62: {  	_ =	shalt  }
0x63: {  	_ =	shalt  }
0x64: {  	_ =	shalt  }
0x65: {  	_ =	shalt  }
0x66: {  	_ =	shalt  }
0x67: {  	_ =	shalt  }
0x68: {  	_ =	shalt  }
0x69: {  	_ =	shalt  }
0x6a: {  	_ =	shalt  }
0x6b: {  	_ =	shalt  }
0x6c: {  	_ =	shalt  }
0x6d: {  	_ =	shalt  }
0x6e: {  	_ =	shalt  }
0x6f: {  	_ =	shalt  }
0x70: {  	_ =	shalt  }
0x71: {  	_ =	shalt  }
0x72: {  	_ =	shalt  }
0x73: {  	_ =	shalt  }
0x74: {  	_ =	shalt  }
0x75: {  	_ =	shalt  }
0x76: {  	_ =	shalt  }
0x77: {  	_ =	shalt  }
0x78: {  	_ =	shalt  }
0x79: {  	_ =	shalt  }
0x7a: {  	_ =	shalt  }
0x7b: {  	_ =	shalt  }
0x7c: {  	_ =	shalt  }
0x7d: {  	_ =	shalt  }
0x7e: {  	_ =	shalt  }
0x7f: {  	_ =	shalt  }
0x80: {  	_ =	shalt  }
0x81: {  	_ =	shalt  }
0x82: {  	_ =	shalt  }
0x83: {  	_ =	shalt  }
0x84: {  	_ =	shalt  }
0x85: {  	_ =	shalt  }
0x86: {  	_ =	shalt  }
0x87: {  	_ =	shalt  }
.Lfunc_end0:
.L_simem_size_0:
called_computation.1_lowered:
.L_overlay_start_0:
0x88: {  	s2 =	sld [smem:$0x3FD9]  }
0x89: {  	s3 =	sld [smem:$0x3FFE];
	_ =	sdelay $0x1  }
0x8a: {  	s1 =	srdreg.scid  }
0x8b: {  	s0 =	sand.u32 $0x1, s1  }
0x8c: {  	s17 =	sshll.u32 s0, $0xA;
	s2 =	sadd.s32 s3, s2  }
0x8d: {  	s2 =	sadd.s32 s2, s17  }
0x8e: {  	[smem:$0x3FC6] =	sst s2  }
0x8f: {  	_ = 	snop  }
0x90: {  	s2 =	sld [smem:$0x3FD0];
	(tm) =	ssettm $0x1  }
0x91: {  	s18 =	sld [smem:$0x3FFB];
	_ =	sdelay $0x3  }
0x92: {  	_ =	strace s18  }
0x93: {  	s3 =	sld [smem:$0x3FFC];
	_ =	sdelay $0x3  }
0x94: {  	_ =	strace s3  }
0x95: {  	s3 =	sld [smem:$0x3FFD];
	_ =	sdelay $0x3  }
0x96: {  	_ =	strace s3  }
0x97: {  	_ =	strace $0x8FFFFFFF  }
0x98: {  	s19 =	sld [smem:$0x3FDB];
	_ =	sdelay $0x1  }
0x99: {  	s4 =	simm.s32 $_scs_section_size  }
0x9a: {  	s5 =	simm.s32 $_size__tile_overlayer_lowered;
	s6 =	simm.s32 $_tile_overlayer_lowered  }
0x9b: {  	s22 =	simm.s32 $0x1BFF;
	s21 =	sshll.u32 s6, $0x1;
	s3 =	sadd.s32 s4, s19  }
0x9c: {  	s7 =	simm.s32 $0x0;
	s20 =	sshll.u32 s5, $0x1;
	s5 =	sadd.s32 s21, s3  }
0x9d: {  	[timem:s7], [sflag:s22] =	dma.local [hbm:s5], s20  }
0x9e: {  	_ =	swait.ge [sflag:s22], s20  }
0x9f: {  	s4 =	ssub.s32 $0x0, s20;
	[sflag:s22] =	ssyncset.done $0x0  }
0xa0: {  	[sflag:s22] =	ssyncadd.s32 s4;
	_ =	sdelay $0x1  }
0xa1: {  	s23 =	simm.s32 $0x1B8B  }
0xa2: {  	_ =	swait.ge [sflag:s23], $0x1  }
0xa3: {  	[sflag:s23] =	ssyncset.done $0x0  }
0xa4: {  	s25 =	simm.s32 $0x1B8E;
	s24 =	sld [smem:$0x3FFE];
	[sflag:s23] =	ssyncadd.s32 $0xFFFFFFFF  }
0xa5: {  	s26 =	simm.s32 $execute0_lowered;
	[smem:$0x3FD2] =	sst s25  }
0xa6: {  	s5 =	sshll.u32 s26, $0x1;
	_ =	strace $0x80000046;
	[dreg:$0x1] =	wrdreg $0xFFFFFFFF  }
0xa7: {  	s28 =	simm.s32 $_size_execute0_lowered;
	s3 =	sadd.s32 s3, s5;
	[dreg:$0x0] =	wrdreg $0x0  }
0xa8: {  	s5 =	sshll.u32 s28, $0x1;
	[dreg:$0x2] =	wrdreg s3  }
0xa9: {  	[dreg:$0x3] =	wrdreg s5  }
0xaa: {  	[dreg:$0x4] =	wrdreg $0xC0  }
0xab: {  	_ =	task [dreg:s7], $0x5FFFF  }
0xac: {  	[dreg:$0x1] =	wrdreg $0xFFFFFFFF  }
0xad: {  	[dreg:$0x0] =	wrdreg $0x60  }
0xae: {  	[dreg:$0x2] =	wrdreg s24  }
0xaf: {  	[dreg:$0x3] =	wrdreg s2  }
0xb0: {  	[dreg:$0x4] =	wrdreg $0x0  }
0xb1: {  	[dreg:$0x5] =	wrdreg $0x9  }
0xb2: {  	_ =	task.clear_ibuf [dreg:s7], $0x6FFFF;
	_ =	strace $0x90000046  }
0xb3: {  	s29 =	simm.s32 $0x9;
	_ =	strace $0x80000048  }
0xb4: {  	_ =	swait.ge [sflag:s29], $0x1  }
0xb5: {  	[sflag:s29] =	ssyncadd.s32 $0xFFFFFFFF  }
0xb6: {  	_ =	strace $0x90000048  }
0xb7: {  	_ =	sfence  }
0xb8: {  	s30 =	sld [smem:$0x0];
	_ =	sdelay $0x2  }
0xb9: {  	s31 =	sshll.u32 s1, $0xD;
	s1 =	sshrl.u32 s1, $0x2  }
0xba: {  	s3 =	sand.u32 $0x4000, s31;
	s1 =	sadd.s32 s1, s30  }
0xbb: {  	s0 =	sor.u32 s3, s0;
	s1 =	sshll.u32 s1, $0x11  }
0xbc: {  	s0 =	sor.u32 s1, s0  }
0xbd: {  	s0 =	sadd.s32 $0x8F2B, s0  }
0xbe: {  	[sflag:s0] =	ssyncadd.remote.s32 $0x1  }
0xbf: {  	_ =	sfence.sel $0xFFFF  }
0xc0: {  	[dreg:$0x0] =	wrdreg $0xFFFFFFFF;
	(pc) =	sbr.abs _section_cstart, $3  }
0xc1: {  	[dreg:$0x1] =	wrdreg $0xFFFFFFFF  }
0xc2: {  	_ =	task.clear_ibuf [dreg:s7], $0x2FFFF;
	_ =	strace $0x9FFFFFFF  }
0xc3: {  	(tm) =	ssettm $0x7FFFFFFF  }
tec
execute0_lowered:
.L_overlay_start_1:
0x0: {  	(tag) =	ssettag $0x1  }
0x1: {  	s0 =	rddreg [dreg:$0x0]  }
0x2: {  	s3 =	rddreg [dreg:$0x1]  }
0x3: {  	s1 =	rddreg [dreg:$0x2]  }
0x4: {  	s2 =	srdreg.scid;
	s4 =	stileid.u32  }
0x5: {  	s15 =	simm.s32 $0xFA0;
	s28 =	simm.s32 $0x3;
	s29 =	simm.s32 $0x2  }
0x6: {  	s30 =	simm.s32 $0x76C0;
	s31 =	simm.s32 $0x11B0;
	s5 =	sand.u32 $0x1, s2  }
0x7: {  	s2 =	simm.s32 $0x0;
	s6 =	sshll.u32 s4, $0x8;
	s20 =	smul.u32 $0x1900, s4  }
0x8: {  	s9 =	sadd.s32 $0x2800, s0;
	s0 =	sadd.s32 $0x800, s0;
	s23 =	smul.u32 $0x64000, s4  }
0x9: {  	p0 =	sne.s32 s4, $0x0;
	s4 =	simm.s32 $0x4;
	s7 =	sshll.u32 s5, $0x7  }
0xa: {  	[smem:$0x7FF] =	sst s2;
	s10 =	ssub.s32 $0x2, s5;
	s21 =	smul.u32 $0xC80, s5  }
0xb: {  	s5 =	smul.u32 $0x32000, s5;
	s6 =	sor.u32 s7, s6;
	_ =	strace $0x80000047  }
0xc: {  	[dreg:$0x5] =	wrdreg s0;
	s16 =	sshrl.u32 s10, $0x1;
	s7 =	smul.u32 $0x19, s6  }
0xd: {  	s24 =	sadd.s32 s20, s9;
	s20 =	simm.s32 $0x48;
	s12 =	smul.u32 $0x640, s6  }
0xe: {  	s8 =	sor.u32 $0x2, s6;
	s0 =	ssub.s32 s10, s16;
	s18 =	smul.u32 $0xC8, s6  }
0xf: {  	s6 =	smul.u32 $0x3200, s6;
	s25 =	sadd.s32 s21, s24;
	s16 =	simm.s32 $0x1130  }
0x10: {  	s21 =	simm.s32 $0x1020;
	s24 =	simm.s32 $0x44C0;
	s11 =	smul.u32 $0x19, s8  }
0x11: {  	s8 =	smul.u32 $0x640, s8;
	s0 =	smax.u32 s0, $0x1;
	[dreg:$0x4] =	wrdreg s25  }
0x12: {  	s25 =	simm.s32 $0x10E8;
	s17 =	sadd.s32 s9, s7;
	s19 =	sadd.s32 s3, s12  }
0x13: {  	s7 =	sshrl.u32 s18, $0x3;
	s6 =	sshrl.u32 s6, $0x3;
	[dreg:$0xe] =	wrdreg s0  }
0x14: {  	s18 =	simm.s32 $0x80;
	s11 =	sadd.s32 s9, s11;
	[dreg:$0x6] =	wrdreg s17  }
0x15: {  	s10 =	sadd.s32 $0x64, s17;
	[dreg:$0x9] =	wrdreg s19;
	s7 =	sadd.s32 s9, s7  }
0x16: {  	s6 =	sadd.s32 s3, s6;
	s8 =	sadd.s32 s3, s8;
	s3 =	sadd.s32 s23, s3  }
0x17: {  	s17 =	simm.s32 $0x1;
	s19 =	simm.s32 $0x12C0;
	[dreg:$0x7] =	wrdreg s11  }
0x18: {  	s23 =	simm.s32 $0x1068;
	s9 =	simm.s32 $0x6;
	[dreg:$0x8] =	wrdreg s10  }
0x19: {  	s7 =	sadd.s32 $0x96, s7;
	[dreg:$0xb] =	wrdreg s8;
	s22 =	sadd.s32 $0x30700, s6  }
0x1a: {  	s6 =	sadd.s32 $0x31380, s6;
	s26 =	sadd.s32 s5, s3;
	[dreg:$0xa] =	wrdreg s7  }
0x1b: {  	s3 =	simm.s32 $0x11F8;
	s5 =	simm.s32 $0xA8C0;
	[dreg:$0xc] =	wrdreg s22  }
0x1c: {  	s8 =	simm.s32 $0x5;
	s10 =	simm.s32 $0x0;
	[dreg:$0xd] =	wrdreg s6  }
0x1d: {  	s0 =	sadd.s32 $0x1900, s26;
	s22 =	simm.s32 $0x32C0;
	s26 =	simm.s32 $0x64C0  }
0x1e: {  	s6 =	simm.s32 $0x1278;
	[dreg:$0xf] =	wrdreg s0;
	s0 =	sshrl.u32 @!p0 s1, $0x3  }
0x1f: {  	s7 =	simm.s32 $0xC8C0;
	[dreg:$0x10] =	wrdreg s0;
	s0 =	simm.s32 $0x96C0  }
.LBB2_1:
0x20: {  	s12 =	rddreg [dreg:$0x5]  }
0x21: {  	s11 =	simm.s32 @!p0 $0x1C07;
	s13 =	rddreg [dreg:$0x10]  }
0x22: {  	[spmem:s13], [sflag:s11] =	dma.local @!p0 [hbm:s12], $0x1F40  }
0x23: {  	s11 =	simm.s32 @!p0 $0x7  }
0x24: {  	_ =	swait.ge @!p0 [sflag:s11], $0x1F40  }
0x25: {  	[sflag:s11] =	ssyncset.done @!p0 $0x0  }
0x26: {  	[sflag:s11] =	ssyncadd.s32 @!p0 $0xFFFFE0C0  }
0x27: {  	[bflag:$0x0] =	sbarrier.arrive $0xFFFF  }
0x28: {  	s13 =	rddreg [dreg:$0x6]  }
0x29: {  	[tilespmem:s15], [sflag:$0x1] =	stream.linear.gather [hbm4b:s13+s2], $0x190, $0x38;
	[tilespmem:$0xDAC0] =	vst v63  }
0x2a: {  	s14 =	rddreg [dreg:$0x7]  }
0x2b: {  	[tilespmem:s16], [sflag:$0x2] =	stream.linear.gather [hbm4b:s14+s2], $0x190, $0x38;
	[tilespmem:$0xDAC0] =	vst v63  }
0x2c: {  	_ =	swait.ge [sflag:s17], $0x190  }
0x2d: {  	[sflag:s17] =	ssyncset.done $0x0  }
0x2e: {  	[sflag:s17] =	ssyncadd.s32 $0xFFFFFE70  }
0x2f: {  	[tilespmem:s19], [sflag:$0x3] =	stream.indirect.gather [spmem:s1], $0x40, s15, s18, $0xb8;
	[tilespmem:$0xDAC0] =	vst v63  }
0x30: {  	_ = 	snop  }
0x31: {  	[tilespmem:s22], [sflag:$0x3] =	stream.indirect.gather [spmem:s1], $0x40, s21, s20, $0xb8;
	[tilespmem:$0xDAC0] =	vst v63  }
0x32: {  	_ = 	snop  }
0x33: {  	[tilespmem:s24], [sflag:$0x3] =	stream.indirect.gather [spmem:s1], $0x40, s23, s18, $0xb8;
	[tilespmem:$0xDAC0] =	vst v63  }
0x34: {  	_ = 	snop  }
0x35: {  	[tilespmem:s26], [sflag:$0x3] =	stream.indirect.gather [spmem:s1], $0x40, s25, s20, $0xb8;
	[tilespmem:$0xDAC0] =	vst v63  }
0x36: {  	_ =	swait.ge [sflag:s28], $0x2000  }
0x37: {  	[sflag:s28] =	ssyncset.done $0x0  }
0x38: {  	[sflag:s28] =	ssyncadd.s32 $0xFFFFE000  }
0x39: {  	_ =	swait.ge [sflag:s28], $0x1200  }
0x3a: {  	[sflag:s28] =	ssyncset.done $0x0  }
0x3b: {  	[sflag:s28] =	ssyncadd.s32 $0xFFFFEE00  }
0x3c: {  	_ =	swait.ge [sflag:s28], $0x2000  }
0x3d: {  	[sflag:s28] =	ssyncset.done $0x0  }
0x3e: {  	[sflag:s28] =	ssyncadd.s32 $0xFFFFE000  }
0x3f: {  	_ =	swait.ge [sflag:s28], $0x1200  }
0x40: {  	[sflag:s28] =	ssyncset.done $0x0  }
0x41: {  	s12 =	rddreg [dreg:$0x8];
	[sflag:s28] =	ssyncadd.s32 $0xFFFFEE00  }
0x42: {  	[tilespmem:s15], [sflag:$0x1] =	stream.linear.gather [hbm4b:s12+s2], $0x190, $0x38;
	[tilespmem:$0xDAC0] =	vst v63  }
0x43: {  	s13 =	rddreg [dreg:$0x9]  }
0x44: {  	[hbm4b:s13+s2] =	stream.linear.scatter [tilespmem:s19], [sflag:$0x5], $0x6400, $0x38;
	[tilespmem:$0xDAC0] =	vst v63  }
0x45: {  	_ =	swait.ge [sflag:s29], $0x190  }
0x46: {  	[sflag:s29] =	ssyncset.done $0x0  }
0x47: {  	[sflag:s29] =	ssyncadd.s32 $0xFFFFFE70  }
0x48: {  	[tilespmem:s30], [sflag:$0x4] =	stream.indirect.gather [spmem:s1], $0x40, s16, s18, $0xb8;
	[tilespmem:$0xDAC0] =	vst v63  }
0x49: {  	_ = 	snop  }
0x4a: {  	[tilespmem:s0], [sflag:$0x4] =	stream.indirect.gather [spmem:s1], $0x40, s31, s20, $0xb8;
	[tilespmem:$0xDAC0] =	vst v63  }
0x4b: {  	_ = 	snop  }
0x4c: {  	[tilespmem:s5], [sflag:$0x4] =	stream.indirect.gather [spmem:s1], $0x40, s3, s18, $0xb8;
	[tilespmem:$0xDAC0] =	vst v63  }
0x4d: {  	_ = 	snop  }
0x4e: {  	[tilespmem:s7], [sflag:$0x4] =	stream.indirect.gather [spmem:s1], $0x40, s6, s20, $0xb8;
	[tilespmem:$0xDAC0] =	vst v63  }
0x4f: {  	_ =	swait.ge [sflag:s4], $0x2000  }
0x50: {  	[sflag:s4] =	ssyncset.done $0x0  }
0x51: {  	[sflag:s4] =	ssyncadd.s32 $0xFFFFE000  }
0x52: {  	_ =	swait.ge [sflag:s4], $0x1200  }
0x53: {  	[sflag:s4] =	ssyncset.done $0x0  }
0x54: {  	[sflag:s4] =	ssyncadd.s32 $0xFFFFEE00  }
0x55: {  	_ =	swait.ge [sflag:s4], $0x2000  }
0x56: {  	[sflag:s4] =	ssyncset.done $0x0  }
0x57: {  	[sflag:s4] =	ssyncadd.s32 $0xFFFFE000  }
0x58: {  	_ =	swait.ge [sflag:s4], $0x1200  }
0x59: {  	[sflag:s4] =	ssyncset.done $0x0  }
0x5a: {  	s14 =	rddreg [dreg:$0xa];
	[sflag:s4] =	ssyncadd.s32 $0xFFFFEE00  }
0x5b: {  	[tilespmem:s16], [sflag:$0x2] =	stream.linear.gather [hbm4b:s14+s2], $0x190, $0x38;
	[tilespmem:$0xDAC0] =	vst v63  }
0x5c: {  	s12 =	rddreg [dreg:$0xb]  }
0x5d: {  	[hbm4b:s12+s2] =	stream.linear.scatter [tilespmem:s30], [sflag:$0x6], $0x6400, $0x38;
	[tilespmem:$0xDAC0] =	vst v63  }
0x5e: {  	_ =	swait.ge [sflag:s17], $0x190  }
0x5f: {  	[sflag:s17] =	ssyncset.done $0x0  }
0x60: {  	[sflag:s17] =	ssyncadd.s32 $0xFFFFFE70  }
0x61: {  	_ =	swait.ge [sflag:s8], $0x6400  }
0x62: {  	[sflag:s8] =	ssyncset.done $0x0  }
0x63: {  	[sflag:s8] =	ssyncadd.s32 $0xFFFF9C00  }
0x64: {  	[tilespmem:s19], [sflag:$0x3] =	stream.indirect.gather [spmem:s1], $0x40, s15, s18, $0xb8;
	[tilespmem:$0xDAC0] =	vst v63  }
0x65: {  	_ = 	snop  }
0x66: {  	[tilespmem:s22], [sflag:$0x3] =	stream.indirect.gather [spmem:s1], $0x40, s21, s20, $0xb8;
	[tilespmem:$0xDAC0] =	vst v63  }
0x67: {  	_ = 	snop  }
0x68: {  	[tilespmem:s24], [sflag:$0x3] =	stream.indirect.gather [spmem:s1], $0x40, s23, s18, $0xb8;
	[tilespmem:$0xDAC0] =	vst v63  }
0x69: {  	_ = 	snop  }
0x6a: {  	[tilespmem:s26], [sflag:$0x3] =	stream.indirect.gather [spmem:s1], $0x40, s25, s20, $0xb8;
	[tilespmem:$0xDAC0] =	vst v63  }
0x6b: {  	_ =	swait.ge [sflag:s28], $0x2000  }
0x6c: {  	[sflag:s28] =	ssyncset.done $0x0  }
0x6d: {  	[sflag:s28] =	ssyncadd.s32 $0xFFFFE000  }
0x6e: {  	_ =	swait.ge [sflag:s28], $0x1200  }
0x6f: {  	[sflag:s28] =	ssyncset.done $0x0  }
0x70: {  	[sflag:s28] =	ssyncadd.s32 $0xFFFFEE00  }
0x71: {  	_ =	swait.ge [sflag:s28], $0x2000  }
0x72: {  	[sflag:s28] =	ssyncset.done $0x0  }
0x73: {  	[sflag:s28] =	ssyncadd.s32 $0xFFFFE000  }
0x74: {  	_ =	swait.ge [sflag:s28], $0x1200  }
0x75: {  	s13 =	rddreg [dreg:$0x4]  }
0x76: {  	[sflag:s28] =	ssyncset.done $0x0;
	s11 =	sadd.s32 $0x0, s13  }
0x77: {  	[sflag:s28] =	ssyncadd.s32 $0xFFFFEE00;
	s14 =	sadd.s32 $0xC8, s11  }
0x78: {  	[tilespmem:s15], [sflag:$0x1] =	stream.linear.gather [hbm4b:s14+s2], $0x190, $0x38;
	[tilespmem:$0xDAC0] =	vst v63  }
0x79: {  	s13 =	rddreg [dreg:$0xf]  }
0x7a: {  	[hbm4b:s13+s2] =	stream.linear.scatter [tilespmem:s19], [sflag:$0x5], $0x6400, $0x38;
	[tilespmem:$0xDAC0] =	vst v63  }
0x7b: {  	_ =	swait.ge [sflag:s29], $0x190  }
0x7c: {  	[sflag:s29] =	ssyncset.done $0x0  }
0x7d: {  	[sflag:s29] =	ssyncadd.s32 $0xFFFFFE70  }
0x7e: {  	_ =	swait.ge [sflag:s9], $0x6400  }
0x7f: {  	[sflag:s9] =	ssyncset.done $0x0  }
0x80: {  	[sflag:s9] =	ssyncadd.s32 $0xFFFF9C00  }
0x81: {  	[tilespmem:s30], [sflag:$0x4] =	stream.indirect.gather [spmem:s1], $0x40, s16, s18, $0xb8;
	[tilespmem:$0xDAC0] =	vst v63  }
0x82: {  	_ = 	snop  }
0x83: {  	[tilespmem:s0], [sflag:$0x4] =	stream.indirect.gather [spmem:s1], $0x40, s31, s20, $0xb8;
	[tilespmem:$0xDAC0] =	vst v63  }
0x84: {  	_ = 	snop  }
0x85: {  	[tilespmem:s5], [sflag:$0x4] =	stream.indirect.gather [spmem:s1], $0x40, s3, s18, $0xb8;
	[tilespmem:$0xDAC0] =	vst v63  }
0x86: {  	_ = 	snop  }
0x87: {  	[tilespmem:s7], [sflag:$0x4] =	stream.indirect.gather [spmem:s1], $0x40, s6, s20, $0xb8;
	[tilespmem:$0xDAC0] =	vst v63  }
0x88: {  	_ =	swait.ge [sflag:s4], $0x2000  }
0x89: {  	[sflag:s4] =	ssyncset.done $0x0  }
0x8a: {  	[sflag:s4] =	ssyncadd.s32 $0xFFFFE000  }
0x8b: {  	_ =	swait.ge [sflag:s4], $0x1200  }
0x8c: {  	[sflag:s4] =	ssyncset.done $0x0  }
0x8d: {  	[sflag:s4] =	ssyncadd.s32 $0xFFFFEE00  }
0x8e: {  	_ =	swait.ge [sflag:s4], $0x2000  }
0x8f: {  	[sflag:s4] =	ssyncset.done $0x0  }
0x90: {  	[sflag:s4] =	ssyncadd.s32 $0xFFFFE000  }
0x91: {  	_ =	swait.ge [sflag:s4], $0x1200  }
0x92: {  	[sflag:s4] =	ssyncset.done $0x0  }
0x93: {  	s11 =	sadd.s32 $0xFA, s11;
	[sflag:s4] =	ssyncadd.s32 $0xFFFFEE00  }
0x94: {  	[tilespmem:s16], [sflag:$0x2] =	stream.linear.gather [hbm4b:s11+s2], $0x190, $0x38;
	[tilespmem:$0xDAC0] =	vst v63  }
0x95: {  	s12 =	sadd.s32 $0x1900, s13;
	s14 =	sadd.s32 $0xC80, s13;
	s11 =	simm.s32 $0x64  }
.LBB2_2:
0x96: {  	[hbm4b:s14+s2] =	stream.linear.scatter [tilespmem:s30], [sflag:$0x6], $0x6400, $0x38;
	[tilespmem:$0xDAC0] =	vst v63  }
0x97: {  	_ =	swait.ge [sflag:s17], $0x190  }
0x98: {  	[sflag:s17] =	ssyncset.done $0x0  }
0x99: {  	[sflag:s17] =	ssyncadd.s32 $0xFFFFFE70  }
0x9a: {  	_ =	swait.ge [sflag:s8], $0x6400  }
0x9b: {  	[sflag:s8] =	ssyncset.done $0x0  }
0x9c: {  	[sflag:s8] =	ssyncadd.s32 $0xFFFF9C00  }
0x9d: {  	[tilespmem:s19], [sflag:$0x3] =	stream.indirect.gather [spmem:s1], $0x40, s15, s18, $0xb8;
	[tilespmem:$0xDAC0] =	vst v63  }
0x9e: {  	_ = 	snop  }
0x9f: {  	[tilespmem:s22], [sflag:$0x3] =	stream.indirect.gather [spmem:s1], $0x40, s21, s20, $0xb8;
	[tilespmem:$0xDAC0] =	vst v63  }
0xa0: {  	_ = 	snop  }
0xa1: {  	[tilespmem:s24], [sflag:$0x3] =	stream.indirect.gather [spmem:s1], $0x40, s23, s18, $0xb8;
	[tilespmem:$0xDAC0] =	vst v63  }
0xa2: {  	_ = 	snop  }
0xa3: {  	[tilespmem:s26], [sflag:$0x3] =	stream.indirect.gather [spmem:s1], $0x40, s25, s20, $0xb8;
	[tilespmem:$0xDAC0] =	vst v63  }
0xa4: {  	_ =	swait.ge [sflag:s28], $0x2000  }
0xa5: {  	[sflag:s28] =	ssyncset.done $0x0  }
0xa6: {  	[sflag:s28] =	ssyncadd.s32 $0xFFFFE000  }
0xa7: {  	_ =	swait.ge [sflag:s28], $0x1200  }
0xa8: {  	[sflag:s28] =	ssyncset.done $0x0  }
0xa9: {  	[sflag:s28] =	ssyncadd.s32 $0xFFFFEE00  }
0xaa: {  	_ =	swait.ge [sflag:s28], $0x2000  }
0xab: {  	[sflag:s28] =	ssyncset.done $0x0  }
0xac: {  	[sflag:s28] =	ssyncadd.s32 $0xFFFFE000  }
0xad: {  	_ =	swait.ge [sflag:s28], $0x1200  }
0xae: {  	s14 =	smov.u32 s11;
	s13 =	rddreg [dreg:$0x4]  }
0xaf: {  	[sflag:s28] =	ssyncset.done $0x0;
	s13 =	sadd.s32 s14, s13  }
0xb0: {  	[sflag:s28] =	ssyncadd.s32 $0xFFFFEE00;
	s14 =	sadd.s32 $0xC8, s13  }
0xb1: {  	[tilespmem:s15], [sflag:$0x1] =	stream.linear.gather [hbm4b:s14+s2], $0x190, $0x38;
	[tilespmem:$0xDAC0] =	vst v63  }
0xb2: {  	_ = 	snop  }
0xb3: {  	[hbm4b:s12+s2] =	stream.linear.scatter [tilespmem:s19], [sflag:$0x5], $0x6400, $0x38;
	[tilespmem:$0xDAC0] =	vst v63  }
0xb4: {  	_ =	swait.ge [sflag:s29], $0x190  }
0xb5: {  	[sflag:s29] =	ssyncset.done $0x0  }
0xb6: {  	[sflag:s29] =	ssyncadd.s32 $0xFFFFFE70  }
0xb7: {  	_ =	swait.ge [sflag:s9], $0x6400  }
0xb8: {  	[sflag:s9] =	ssyncset.done $0x0  }
0xb9: {  	[sflag:s9] =	ssyncadd.s32 $0xFFFF9C00  }
0xba: {  	[tilespmem:s30], [sflag:$0x4] =	stream.indirect.gather [spmem:s1], $0x40, s16, s18, $0xb8;
	[tilespmem:$0xDAC0] =	vst v63  }
0xbb: {  	_ = 	snop  }
0xbc: {  	[tilespmem:s0], [sflag:$0x4] =	stream.indirect.gather [spmem:s1], $0x40, s31, s20, $0xb8;
	[tilespmem:$0xDAC0] =	vst v63  }
0xbd: {  	_ = 	snop  }
0xbe: {  	[tilespmem:s5], [sflag:$0x4] =	stream.indirect.gather [spmem:s1], $0x40, s3, s18, $0xb8;
	[tilespmem:$0xDAC0] =	vst v63  }
0xbf: {  	_ = 	snop  }
0xc0: {  	[tilespmem:s7], [sflag:$0x4] =	stream.indirect.gather [spmem:s1], $0x40, s6, s20, $0xb8;
	[tilespmem:$0xDAC0] =	vst v63  }
0xc1: {  	_ =	swait.ge [sflag:s4], $0x2000  }
0xc2: {  	[sflag:s4] =	ssyncset.done $0x0  }
0xc3: {  	[sflag:s4] =	ssyncadd.s32 $0xFFFFE000  }
0xc4: {  	_ =	swait.ge [sflag:s4], $0x1200  }
0xc5: {  	[sflag:s4] =	ssyncset.done $0x0  }
0xc6: {  	[sflag:s4] =	ssyncadd.s32 $0xFFFFEE00  }
0xc7: {  	_ =	swait.ge [sflag:s4], $0x2000  }
0xc8: {  	p1 =	sne.s32 s11, $0xB54;
	[sflag:s4] =	ssyncset.done $0x0  }
.Ltmp0:
0xc9: {  	[sflag:s4] =	ssyncadd.s32 $0xFFFFE000;
	(pc) =	sbr.rel @p1 .LBB2_2-.Ltmp0, $4  }
0xca: {  	_ =	swait.ge [sflag:s4], $0x1200  }
0xcb: {  	s11 =	sadd.s32 $0x64, s11;
	s13 =	sadd.s32 $0xFA, s13;
	[sflag:s4] =	ssyncset.done $0x0  }
0xcc: {  	s14 =	sadd.s32 $0xC80, s12;
	s12 =	sadd.s32 $0x1900, s12;
	[sflag:s4] =	ssyncadd.s32 $0xFFFFEE00  }
0xcd: {  	[tilespmem:s16], [sflag:$0x2] =	stream.linear.gather [hbm4b:s13+s2], $0x190, $0x38;
	[tilespmem:$0xDAC0] =	vst v63  }
0xce: {  	[hbm4b:s14+s2] =	stream.linear.scatter [tilespmem:s30], [sflag:$0x6], $0x6400, $0x38;
	[tilespmem:$0xDAC0] =	vst v63  }
0xcf: {  	_ =	swait.ge [sflag:s17], $0x190  }
0xd0: {  	[sflag:s17] =	ssyncset.done $0x0  }
0xd1: {  	[sflag:s17] =	ssyncadd.s32 $0xFFFFFE70  }
0xd2: {  	_ =	swait.ge [sflag:s8], $0x6400  }
0xd3: {  	[sflag:s8] =	ssyncset.done $0x0  }
0xd4: {  	[sflag:s8] =	ssyncadd.s32 $0xFFFF9C00  }
0xd5: {  	[tilespmem:s19], [sflag:$0x3] =	stream.indirect.gather [spmem:s1], $0x40, s15, s18, $0xb8;
	[tilespmem:$0xDAC0] =	vst v63  }
0xd6: {  	_ = 	snop  }
0xd7: {  	[tilespmem:s22], [sflag:$0x3] =	stream.indirect.gather [spmem:s1], $0x40, s21, s20, $0xb8;
	[tilespmem:$0xDAC0] =	vst v63  }
0xd8: {  	_ = 	snop  }
0xd9: {  	[tilespmem:s24], [sflag:$0x3] =	stream.indirect.gather [spmem:s1], $0x40, s23, s18, $0xb8;
	[tilespmem:$0xDAC0] =	vst v63  }
0xda: {  	_ = 	snop  }
0xdb: {  	[tilespmem:s26], [sflag:$0x3] =	stream.indirect.gather [spmem:s1], $0x40, s25, s20, $0xb8;
	[tilespmem:$0xDAC0] =	vst v63  }
0xdc: {  	_ =	swait.ge [sflag:s28], $0x2000  }
0xdd: {  	[sflag:s28] =	ssyncset.done $0x0  }
0xde: {  	[sflag:s28] =	ssyncadd.s32 $0xFFFFE000  }
0xdf: {  	_ =	swait.ge [sflag:s28], $0x1200  }
0xe0: {  	[sflag:s28] =	ssyncset.done $0x0  }
0xe1: {  	[sflag:s28] =	ssyncadd.s32 $0xFFFFEE00  }
0xe2: {  	_ =	swait.ge [sflag:s28], $0x2000  }
0xe3: {  	[sflag:s28] =	ssyncset.done $0x0  }
0xe4: {  	[sflag:s28] =	ssyncadd.s32 $0xFFFFE000  }
0xe5: {  	_ =	swait.ge [sflag:s28], $0x1200  }
0xe6: {  	[sflag:s28] =	ssyncset.done $0x0  }
0xe7: {  	s11 =	rddreg [dreg:$0xc];
	[sflag:s28] =	ssyncadd.s32 $0xFFFFEE00  }
0xe8: {  	[hbm4b:s11+s2] =	stream.linear.scatter [tilespmem:s19], [sflag:$0x5], $0x6400, $0x38;
	[tilespmem:$0xDAC0] =	vst v63  }
0xe9: {  	_ =	swait.ge [sflag:s29], $0x190  }
0xea: {  	[sflag:s29] =	ssyncset.done $0x0  }
0xeb: {  	[sflag:s29] =	ssyncadd.s32 $0xFFFFFE70  }
0xec: {  	_ =	swait.ge [sflag:s9], $0x6400  }
0xed: {  	[sflag:s9] =	ssyncset.done $0x0  }
0xee: {  	[sflag:s9] =	ssyncadd.s32 $0xFFFF9C00  }
0xef: {  	[tilespmem:s30], [sflag:$0x4] =	stream.indirect.gather [spmem:s1], $0x40, s16, s18, $0xb8;
	[tilespmem:$0xDAC0] =	vst v63  }
0xf0: {  	_ = 	snop  }
0xf1: {  	[tilespmem:s0], [sflag:$0x4] =	stream.indirect.gather [spmem:s1], $0x40, s31, s20, $0xb8;
	[tilespmem:$0xDAC0] =	vst v63  }
0xf2: {  	_ = 	snop  }
0xf3: {  	[tilespmem:s5], [sflag:$0x4] =	stream.indirect.gather [spmem:s1], $0x40, s3, s18, $0xb8;
	[tilespmem:$0xDAC0] =	vst v63  }
0xf4: {  	_ = 	snop  }
0xf5: {  	[tilespmem:s7], [sflag:$0x4] =	stream.indirect.gather [spmem:s1], $0x40, s6, s20, $0xb8;
	[tilespmem:$0xDAC0] =	vst v63  }
0xf6: {  	_ =	swait.ge [sflag:s4], $0x2000  }
0xf7: {  	[sflag:s4] =	ssyncset.done $0x0  }
0xf8: {  	[sflag:s4] =	ssyncadd.s32 $0xFFFFE000  }
0xf9: {  	_ =	swait.ge [sflag:s4], $0x1200  }
0xfa: {  	[sflag:s4] =	ssyncset.done $0x0  }
0xfb: {  	[sflag:s4] =	ssyncadd.s32 $0xFFFFEE00  }
0xfc: {  	_ =	swait.ge [sflag:s4], $0x2000  }
0xfd: {  	[sflag:s4] =	ssyncset.done $0x0  }
0xfe: {  	[sflag:s4] =	ssyncadd.s32 $0xFFFFE000  }
0xff: {  	_ =	swait.ge [sflag:s4], $0x1200  }
0x100: {  	[sflag:s4] =	ssyncset.done $0x0  }
0x101: {  	s13 =	rddreg [dreg:$0xd];
	[sflag:s4] =	ssyncadd.s32 $0xFFFFEE00  }
0x102: {  	[hbm4b:s13+s2] =	stream.linear.scatter [tilespmem:s30], [sflag:$0x6], $0x6400, $0x38;
	[tilespmem:$0xDAC0] =	vst v63  }
0x103: {  	_ =	swait.ge [sflag:s8], $0x6400  }
0x104: {  	[sflag:s8] =	ssyncset.done $0x0  }
0x105: {  	[sflag:s8] =	ssyncadd.s32 $0xFFFF9C00  }
0x106: {  	_ =	swait.ge [sflag:s9], $0x6400  }
0x107: {  	s10 =	sadd.s32 $0x1, s10;
	s14 =	rddreg [dreg:$0xe]  }
0x108: {  	p1 =	sne.s32 s10, s14  }
.Ltmp1:
0x109: {  	_ = 	snop;
	(pc) =	sbr.rel @p1 .LBB2_1-.Ltmp1, $3  }
0x10a: {  	_ =	sdelay $0x1  }
0x10b: {  	[sflag:s9] =	ssyncset.done $0x0  }
0x10c: {  	[sflag:s9] =	ssyncadd.s32 $0xFFFF9C00  }
0x10d: {  	_ =	sfence.sel $0x180000  }
0x10e: {  	[bflag:$0x0] =	sbarrier.arrive $0xFFFF  }
0x10f: {  	_ =	strace $0x90000047  }
0x110: {  	[bflag:$0x2] =	sbarrier.arrive $0xFFFF  }
0x111: {  	s0 =	rddreg [dreg:$0x3]  }
0x112: {  	s0 =	sadd.s32 @!p0 $0x100000, s0  }
0x113: {  	[sflag:s0] =	ssyncadd.tile.s32 @!p0 $0x1;
	_ =	shalt  }
.Lfunc_end2:
_tile_overlayer_lowered:
.L_overlay_start_2:
0x114: {  	(tag) =	ssettag $0x2  }
0x115: {  	s0 =	rddreg [dreg:$0x0];
	s2 =	stileid.u32  }
0x116: {  	s1 =	rddreg [dreg:$0x1];
	p0 =	sne.s32 s2, $0x0  }
0x117: {  	s3 =	rddreg [dreg:$0x2];
	[bflag:$0x3] =	sbarrier.arrive $0xFFFF;
	s2 =	simm.s32 @!p0 $0x1C07  }
0x118: {  	[timem:s3], [sflag:s2] =	dma.local @!p0 [hbm:s0], s1  }
0x119: {  	s0 =	simm.s32 @!p0 $0x7  }
0x11a: {  	_ =	swait.ge @!p0 [sflag:s0], s1  }
0x11b: {  	s1 =	ssub.s32 @!p0 $0x0, s1;
	[sflag:s0] =	ssyncset.done @!p0 $0x0  }
0x11c: {  	[sflag:s0] =	ssyncadd.s32 @!p0 s1  }
0x11d: {  	[bflag:$0x3] =	sbarrier.arrive $0xFFFF  }
0x11e: {  	_ =	shalt  }

// kernel: sparse-core-data-format-call.cloned.1.call-start
scs
called_computation_lowered:
.L_overlay_start_0:
0x0: {  	s2 =	sld [smem:$0x3FD9]  }
0x1: {  	s3 =	sld [smem:$0x3FFE];
	_ =	sdelay $0x1  }
0x2: {  	s1 =	srdreg.scid  }
0x3: {  	s0 =	sand.u32 $0x1, s1  }
0x4: {  	s18 =	sshll.u32 s0, $0xA;
	s2 =	sadd.s32 s3, s2  }
0x5: {  	s2 =	sadd.s32 s2, s18  }
0x6: {  	[smem:$0x3FC6] =	sst s2  }
0x7: {  	_ = 	snop  }
0x8: {  	s2 =	sld [smem:$0x3FD0];
	(tm) =	ssettm $0x1  }
0x9: {  	s19 =	sld [smem:$0x3FFB];
	_ =	sdelay $0x3  }
0xa: {  	_ =	strace s19  }
0xb: {  	s3 =	sld [smem:$0x3FFC];
	_ =	sdelay $0x3  }
0xc: {  	_ =	strace s3  }
0xd: {  	s3 =	sld [smem:$0x3FFD];
	_ =	sdelay $0x3  }
0xe: {  	_ =	strace s3  }
0xf: {  	_ =	strace $0x8FFFFFFF  }
0x10: {  	s20 =	sld [smem:$0x3FDB];
	_ =	sdelay $0x1  }
0x11: {  	s4 =	simm.s32 $_scs_section_size  }
0x12: {  	s5 =	simm.s32 $_size__tile_overlayer_lowered;
	s6 =	simm.s32 $_tile_overlayer_lowered  }
0x13: {  	s23 =	simm.s32 $0x1BFF;
	s22 =	sshll.u32 s6, $0x1;
	s3 =	sadd.s32 s4, s20  }
0x14: {  	s7 =	simm.s32 $0x0;
	s21 =	sshll.u32 s5, $0x1;
	s5 =	sadd.s32 s22, s3  }
0x15: {  	[timem:s7], [sflag:s23] =	dma.local [hbm:s5], s21  }
0x16: {  	_ =	swait.ge [sflag:s23], s21  }
0x17: {  	s4 =	ssub.s32 $0x0, s21;
	[sflag:s23] =	ssyncset.done $0x0  }
0x18: {  	[sflag:s23] =	ssyncadd.s32 s4;
	_ =	sdelay $0x1  }
0x19: {  	s24 =	simm.s32 $0x1B8B  }
0x1a: {  	_ =	swait.ge [sflag:s24], $0x1  }
0x1b: {  	[sflag:s24] =	ssyncset.done $0x0  }
0x1c: {  	s26 =	simm.s32 $0x1B8E;
	s25 =	sld [smem:$0x3FFE];
	[sflag:s24] =	ssyncadd.s32 $0xFFFFFFFF  }
0x1d: {  	s27 =	simm.s32 $execute0_lowered;
	[smem:$0x3FD2] =	sst s26  }
0x1e: {  	s5 =	sshll.u32 s27, $0x1;
	_ =	strace $0x80000049;
	[dreg:$0x1] =	wrdreg $0xFFFFFFFF  }
0x1f: {  	s28 =	simm.s32 $_size_execute0_lowered;
	s3 =	sadd.s32 s3, s5;
	[dreg:$0x0] =	wrdreg $0x0  }
0x20: {  	s5 =	sshll.u32 s28, $0x1;
	[dreg:$0x2] =	wrdreg s3  }
0x21: {  	[dreg:$0x3] =	wrdreg s5  }
0x22: {  	[dreg:$0x4] =	wrdreg $0xC0  }
0x23: {  	_ =	task [dreg:s7], $0x5FFFF  }
0x24: {  	[dreg:$0x1] =	wrdreg $0xFFFFFFFF  }
0x25: {  	[dreg:$0x0] =	wrdreg $0x60  }
0x26: {  	[dreg:$0x2] =	wrdreg s25  }
0x27: {  	[dreg:$0x3] =	wrdreg s2  }
0x28: {  	[dreg:$0x4] =	wrdreg $0x9  }
0x29: {  	_ =	task.clear_ibuf [dreg:s7], $0x5FFFF;
	_ =	strace $0x90000049  }
0x2a: {  	s29 =	simm.s32 $0x9;
	_ =	strace $0x8000004B  }
0x2b: {  	_ =	swait.ge [sflag:s29], $0x1  }
0x2c: {  	[sflag:s29] =	ssyncadd.s32 $0xFFFFFFFF  }
0x2d: {  	_ =	strace $0x9000004B  }
0x2e: {  	_ =	sfence  }
0x2f: {  	s30 =	sld [smem:$0x0];
	_ =	sdelay $0x2  }
0x30: {  	s31 =	sshll.u32 s1, $0xD;
	s1 =	sshrl.u32 s1, $0x2  }
0x31: {  	s3 =	sand.u32 $0x4000, s31;
	s1 =	sadd.s32 s1, s30  }
0x32: {  	s0 =	sor.u32 s3, s0;
	s1 =	sshll.u32 s1, $0x11  }
0x33: {  	s0 =	sor.u32 s1, s0  }
0x34: {  	s0 =	sadd.s32 $0x8F2B, s0  }
0x35: {  	[sflag:s0] =	ssyncadd.remote.s32 $0x1  }
0x36: {  	_ =	sfence.sel $0xFFFF  }
0x37: {  	[dreg:$0x0] =	wrdreg $0xFFFFFFFF;
	(pc) =	sbr.abs _section_cstart, $3  }
0x38: {  	[dreg:$0x1] =	wrdreg $0xFFFFFFFF  }
0x39: {  	_ =	task.clear_ibuf [dreg:s7], $0x2FFFF;
	_ =	strace $0x9FFFFFFF  }
0x3a: {  	(tm) =	ssettm $0x7FFFFFFF  }
0x3b: {  	_ =	shalt  }
tec
execute0_lowered:
.L_overlay_start_1:
0x0: {  	(tag) =	ssettag $0x1  }
0x1: {  	s0 =	srdreg.scid  }
0x2: {  	s1 =	sshll.u32 s0, $0x4  }
0x3: {  	s0 =	stileid.u32;
	s1 =	sand.u32 $0x10, s1  }
0x4: {  	s1 =	sor.u32 s0, s1  }
0x5: {  	s6 =	rddreg [dreg:$0x0];
	s4 =	simm.s32 $0x1;
	s2 =	sshll.u32 s1, $0x7  }
0x6: {  	s7 =	simm.s32 $0x2;
	s12 =	simm.s32 $0x0;
	s1 =	ssub.s32 $0x1000, s2  }
0x7: {  	s8 =	simm.s32 $0x8000;
	s13 =	simm.s32 $0x0;
	s3 =	sand.u32 $0xF80, s1  }
0x8: {  	s9 =	simm.s32 $0x0;
	s5 =	sshrl.u32 s1, $0xC;
	p0 =	sne.s32 s3, $0x0  }
.Ltmp0:
0x9: {  	s1 =	rddreg [dreg:$0x2];
	s4 =	simm.s32 @!p0 $0x0;
	(pc) =	sbr.rel .LBB1_1-.Ltmp0, $4  }
0xa: {  	s11 =	simm.s32 $0x0;
	s3 =	rddreg [dreg:$0x1];
	s5 =	sadd.s32 s4, s5  }
0xb: {  	_ =	strace $0x8000004A;
	s4 =	simm.s32 $0x1;
	s5 =	smul.u32 $0xC8, s5  }
0xc: {  	s6 =	sadd.s32 $0x800, s6;
	s10 =	smov.u32 s2;
	[sflag:s4] =	ssyncpa.u1 $0x0  }
0xd: {  	p0 =	por $0x0, $0x0;
	[sflag:s7] =	ssyncpa.u1 $0x0;
	s7 =	sor.u32 $0x1, s5  }
.LBB1_4:
0xe: {  	s16 =	sshll.u32 s13, $0x3;
	s17 =	sand.u32 $0x78, s13  }
0xf: {  	s30 =	sand.u32 $0x7E00, s13;
	s12 =	sshll.u32 s12, $0xF;
	s16 =	sand.u32 $0xC00, s16  }
0x10: {  	[tilespmem:s15+$0x810 ss:$0x81] =	vst.msk $0xffff, v2;
	s31 =	sand.u32 $0x7, s13;
	s16 =	sor.u32 s17, s16;
	s17 =	sadd.s32 s3, s30  }
0x11: {  	[tilespmem:s15+$0x1020 ss:$0x81] =	vst.msk $0xffff, v0;
	s13 =	sshll.u32 s31, $0x12;
	s12 =	sadd.s32 s12, s17;
	s16 =	sshrl.u32 s16, $0x3  }
0x12: {  	[tilespmem:s15+$0x0 ss:$0x81] =	vst.msk $0xffff, v1;
	s13 =	sor.u32 $0x400, s13;
	s12 =	sadd.s32 s16, s12  }
0x13: {  	[hbm4b:s12+s13] =	stream.strided.scatter [tilespmem:s14], [sflag:$0x2], $0x2000, s8, s13, $0x20;
	[tilespmem:$0x8080] =	vst v63  }
.LBB1_5:
0x14: {  	s14 =	sadd.s32 $0x1, s9  }
0x15: {  	s12 =	sadd.s32 $0x1000, s10;
	s16 =	smov.u32 s10;
	p2 =	sgt.s32 s14, $0xC7  }
0x16: {  	s16 =	smov.u32 @p2 s12  }
0x17: {  	s14 =	simm.s32 @p2 $0x0;
	p2 =	sgt.s32 s16, $0xFFF  }
0x18: {  	s16 =	smov.u32 @p2 s2;
	p2 =	sne.s32 s11, s7  }
.Ltmp1:
0x19: {  	p1 =	slt.u32 s11, $0x2;
	(pc) =	sbr.rel @!p2 .LBB1_6-.Ltmp1, $4  }
0x1a: {  	s15 =	simm.s32 @!p1 $0x2  }
0x1b: {  	s13 =	smov.u32 s10;
	p0 =	por !p0, !p0;
	_ =	swait.ge @!p1 [sflag:s15], $0x2000  }
0x1c: {  	s12 =	smov.u32 s9;
	[sflag:s15] =	ssyncset.done @!p1 $0x0;
	s9 =	smov.u32 s14  }
0x1d: {  	s11 =	sadd.s32 $0x1, s11;
	[sflag:s15] =	ssyncadd.s32 @!p1 $0xFFFFE000;
	s10 =	smov.u32 s16  }
.LBB1_1:
0x1e: {  	p1 =	sge.u32 s11, s5  }
0x1f: {  	s14 =	sand.u32 @!p1 $0x1FFFFFF, s9  }
0x20: {  	s15 =	smulhi.u32 @!p1 $0x147AE15, s14;
	_ =	sdelay $0x1  }
0x21: {  	s15 =	smul.u32 @!p1 $0xC8, s15  }
0x22: {  	s16 =	sxor.u32 @!p1 $0xFFFFFFFF, s11;
	s17 =	smul.u32 @!p1 $0xC80, s10  }
0x23: {  	s31 =	sadd.s32 $0xFFFFFFFF, s11;
	s16 =	sshll.u32 @!p1 s16, $0xD;
	s14 =	ssub.s32 @!p1 s14, s15  }
0x24: {  	s15 =	sand.u32 @!p1 $0x2000, s16;
	s16 =	sadd.s32 @!p1 s6, s17;
	s14 =	sshll.u32 @!p1 s14, $0x4  }
0x25: {  	s17 =	simm.s32 @!p1 $0x6400;
	s14 =	sadd.s32 @!p1 s14, s16;
	s16 =	simm.s32 @!p1 $0x40  }
0x26: {  	[tilespmem:s15], [sflag:$0x1] =	stream.strided.gather @!p1 [hbm4b:s14+s16], $0x2000, s17, s16, $0x38;
	[tilespmem:$0x8080] =	vst v63  }
0x27: {  	p1 =	sge.u32 s31, s5  }
.Ltmp2:
0x28: {  	_ = 	snop;
	(pc) =	sbr.rel @p1 .LBB1_5-.Ltmp2, $1  }
0x29: {  	_ =	sdelay $0x3  }
0x2a: {  	s14 =	simm.s32 $0x1  }
0x2b: {  	_ =	swait.ge [sflag:s4], $0x2000;
	s14 =	simm.s32 @!p0 $0x0  }
0x2c: {  	[sflag:s4] =	ssyncset.done $0x0;
	s15 =	sshll.u32 s14, $0xD  }
0x2d: {  	[sflag:s4] =	ssyncadd.s32 $0xFFFFE000;
	s18 =	sor.u32 $0x20, s15  }
0x2e: {  	s14 =	smul.u32 $0x8100, s14;
	v3 =	vld [tilespmem:s18+$0x10]  }
0x2f: {  	s30 =	sand.u32 $0x1, s11;
	v2 =	vld [tilespmem:s18+$0xFFFFFFF0]  }
0x30: {  	s15 =	smul.u32 $0x8100, s30;
	s14 =	sshrl.u32 s14, $0x2;
	v0 =	vld [tilespmem:s18+$0x0]  }
0x31: {  	v1 =	vld [tilespmem:s18+$0xFFFFFFE0];
	s16 =	sor.u32 $0x4000, s14  }
0x32: {  	s31 =	sshrl.u32 s15, $0x2;
	s15 =	sadd.s32 $0x0, s16  }
0x33: {  	s17 =	simm.s32 $0x4;
	s18 =	sadd.s32 $0x40, s18;
	s14 =	sor.u32 $0x4000, s31;
	[tilespmem:s15+$0x1830 ss:$0x81] =	vst.msk $0xffff, v3  }
.LBB1_3:
0x34: {  	v3 =	vld [tilespmem:s18+$0x10];
	p1 =	sne.s32 s17, $0x1FC;
	[tilespmem:s15+$0x810 ss:$0x81] =	vst.msk $0xffff, v2;
	s19 =	smov.u32 s17;
	s17 =	sadd.s32 $0x4, s17  }
.Ltmp3:
0x35: {  	v2 =	vld [tilespmem:s18+$0xFFFFFFF0];
	[tilespmem:s15+$0x1020 ss:$0x81] =	vst.msk $0xffff, v0;
	(pc) =	sbr.rel @p1 .LBB1_3-.Ltmp3, $4  }
0x36: {  	v0 =	vld [tilespmem:s18+$0x0];
	[tilespmem:s15+$0x0 ss:$0x81] =	vst.msk $0xffff, v1  }
0x37: {  	s15 =	sshra.s32 s19, $0x2;
	v1 =	vld [tilespmem:s18+$0xFFFFFFE0]  }
0x38: {  	s15 =	sadd.s32 s15, s16  }
0x39: {  	s18 =	sadd.s32 $0x40, s18;
	[tilespmem:s15+$0x1830 ss:$0x81] =	vst.msk $0xffff, v3  }
.Ltmp4:
0x3a: {  	_ = 	snop;
	(pc) =	sbr.rel .LBB1_4-.Ltmp4, $1  }
0x3b: {  	_ =	sdelay $0x3  }
.LBB1_6:
0x3c: {  	_ =	sfence.sel $0x180000  }
0x3d: {  	s2 =	simm.s32 $0x1;
	[bflag:$0x0] =	sbarrier.arrive $0xFFFF  }
0x3e: {  	s31 =	simm.s32 $0x2;
	[sflag:s2] =	ssyncpa.u1 $0x1  }
0x3f: {  	[sflag:s31] =	ssyncpa.u1 $0x1  }
0x40: {  	p0 =	sne.s32 s0, $0x0;
	_ =	strace $0x9000004A  }
0x41: {  	s0 =	sadd.s32 @!p0 $0x100000, s1;
	[bflag:$0x2] =	sbarrier.arrive $0xFFFF  }
0x42: {  	[sflag:s0] =	ssyncadd.tile.s32 @!p0 $0x1;
	_ =	shalt  }
.Lfunc_end1:
_tile_overlayer_lowered:
.L_overlay_start_2:
0x43: {  	(tag) =	ssettag $0x2  }
0x44: {  	s0 =	rddreg [dreg:$0x0];
	s2 =	stileid.u32  }
0x45: {  	s1 =	rddreg [dreg:$0x1];
	p0 =	sne.s32 s2, $0x0  }
0x46: {  	s3 =	rddreg [dreg:$0x2];
	[bflag:$0x3] =	sbarrier.arrive $0xFFFF;
	s2 =	simm.s32 @!p0 $0x1C01  }
0x47: {  	[timem:s3], [sflag:s2] =	dma.local @!p0 [hbm:s0], s1  }
0x48: {  	s0 =	simm.s32 @!p0 $0x1  }
0x49: {  	_ =	swait.ge @!p0 [sflag:s0], s1  }
0x4a: {  	s1 =	ssub.s32 @!p0 $0x0, s1;
	[sflag:s0] =	ssyncset.done @!p0 $0x0  }
0x4b: {  	[sflag:s0] =	ssyncadd.s32 @!p0 s1  }
0x4c: {  	[bflag:$0x3] =	sbarrier.arrive $0xFFFF  }
0x4d: {  	_ =	shalt  }

</sc_bundles>
